<compile_context>
chip_gen: v7x
topology: tpu7x:2x2x1
jax: 0.10.2.dev20260603
libtpu: 0.0.44.dev20260713+nightly
codegen_flags: <defaults>
</compile_context>

<pallas_src>
import functools

import jax
import jax.numpy as jnp
from jax import lax
from jax.experimental import pallas as pl
from jax.experimental.pallas import tpu as pltpu
from jax.experimental.pallas import tpu_sc as plsc

EMB_DIM = 32
NUM_CORES = 2
NUM_SUBCORES = 16
NUM_WORKERS = NUM_CORES * NUM_SUBCORES

CHUNK = 640
NBUF = 4


@jax.jit
def _gather_flat(idx, table):
    (B,) = idx.shape
    b_per_w = B // NUM_WORKERS
    n_chunks = b_per_w // CHUNK
    assert n_chunks % NBUF == 0

    mesh = plsc.VectorSubcoreMesh(core_axis_name="c", subcore_axis_name="s")

    @functools.partial(
        pl.kernel,
        mesh=mesh,
        out_type=jax.ShapeDtypeStruct((B, EMB_DIM), jnp.float32),
        scratch_types=[
            pltpu.VMEM((b_per_w,), jnp.int32),
            pltpu.VMEM((NBUF, CHUNK, EMB_DIM), jnp.float32),
            pltpu.SemaphoreType.DMA((NBUF,)),
            pltpu.SemaphoreType.DMA((NBUF,)),
        ],
        compiler_params=pltpu.CompilerParams(use_tc_tiling_on_sc=False),
    )
    def k(table_hbm, idx_hbm, out_hbm, idx_all, rows_v, sem_g, sem_s):
        wid = lax.axis_index("s") * NUM_CORES + lax.axis_index("c")
        base = wid * b_per_w
        pltpu.sync_copy(idx_hbm.at[pl.ds(base, b_per_w)], idx_all)

        def gather_desc(g, slot):
            return pltpu.make_async_copy(
                table_hbm.at[idx_all.at[pl.ds(g * CHUNK, CHUNK)]],
                rows_v.at[slot],
                sem_g.at[slot],
            )

        def store_desc(g, slot):
            return pltpu.make_async_copy(
                rows_v.at[slot],
                out_hbm.at[pl.ds(base + g * CHUNK, CHUNK)],
                sem_s.at[slot],
            )

        gather_desc(0, 0).start()

        @pl.loop(0, n_chunks, step=NBUF)
        def block(g0):
            for j in range(NBUF):
                g = g0 + j
                nxt = g + 1
                s_cur = j
                s_nxt = (j + 1) % NBUF

                @pl.when(nxt < n_chunks)
                def _():
                    @pl.when(nxt >= NBUF)
                    def _():
                        store_desc(nxt - NBUF, s_nxt).wait()

                    gather_desc(nxt, s_nxt).start()

                gather_desc(g, s_cur).wait()
                store_desc(g, s_cur).start()

        for j in range(NBUF):
            store_desc(n_chunks - NBUF + j, j).wait()

    return k(table, idx)


def kernel(input, table):
    B0, B1 = input.shape
    idx = input.T.reshape(B0 * B1).astype(jnp.int32)
    out = _gather_flat(idx, table)
    return out.reshape(B1, B0, EMB_DIM).transpose(1, 0, 2)

# --- scband reference (transcript-rebuilt; emitter-appended) ---
"""Pipeline reference for scband-noisy-embedding-10694468567550 (READ-ONLY COPY).

The authoritative reference and input builder live on the scoring server;
editing this copy changes nothing except your own understanding.
"""

import jax, jax.numpy as jnp
import numpy as np

NUM_EMBEDDINGS = 1000000
EMBEDDING_DIM = 32

def setup_inputs(seed: int = 0) -> dict:
    key = jax.random.key(seed)
    k_idx, k_tab = jax.random.split(key)
    indices = jax.random.randint(k_idx, (16384, 50), 0, NUM_EMBEDDINGS, dtype=jnp.int64 if jax.config.jax_enable_x64 else jnp.int32)
    table = jax.random.normal(k_tab, (NUM_EMBEDDINGS, EMBEDDING_DIM), dtype=jnp.float32)
    return {"input": indices, "table": table}

def reference(input, table):
    # NoisyEmbedding forward in eval mode (deterministic): plain embedding gather.
    # (Training-mode Gaussian noise is RNG-dependent and omitted for determinism.)
    embedding_output = jnp.take(table, input, axis=0)
    return embedding_output

if __name__ == "__main__":
    import jax
    _d = setup_inputs()
    print(jax.jit(kernel)(*tuple(_d.values())))

</pallas_src>

<mosaic_0001>
#map = affine_map<(d0, d1) -> (0, 0)>
#map1 = affine_map<(d0, d1) -> (0)>
module attributes {stable_mosaic.version = 14 : i64} {
  func.func @k(%arg0: i32, %arg1: i32, %arg2: memref<1000000x32xf32, #tpu.memory_space<hbm>>, %arg3: memref<819200xi32, #tpu.memory_space<hbm>>, %arg4: memref<819200x32xf32, #tpu.memory_space<hbm>>, %arg5: memref<25600xi32, #tpu.memory_space<vmem>>, %arg6: memref<4x640x32xf32, #tpu.memory_space<vmem>>, %arg7: memref<4x!tpu.dma_semaphore, #tpu.memory_space<semaphore_mem>>, %arg8: memref<4x!tpu.dma_semaphore, #tpu.memory_space<semaphore_mem>>) attributes {dimension_semantics = [#tpu.dimension_semantics<core_parallel>, #tpu.dimension_semantics<subcore_parallel>], iteration_bounds = array<i64: 2, 16>, scalar_prefetch = 0 : i64, scratch_operands = 4 : i64, tpu.core_type = #tpu.core_type<sc_vector_subcore>, window_params = [{transform_indices = #map}, {transform_indices = #map1}, {transform_indices = #map}]} {
    %mul3A = arith.constant 2 : i32
    %mul3A_0 = arith.muli %arg1, %mul3A : i32
    %add3A = arith.addi %mul3A_0, %arg0 : i32
    %mul3A_1 = arith.constant 25600 : i32
    %mul3A_2 = arith.muli %add3A, %mul3A_1 : i32
    "tpu.region"() ({
      %run_scoped3A = tpu.sem_alloc : memref<!tpu.dma_semaphore, #tpu.memory_space<semaphore_mem>>
      %dma_start3A_90 = tpu.memref_slice %arg3[%mul3A_2] : memref<819200xi32, #tpu.memory_space<hbm>> -> memref<25600xi32, #tpu.memory_space<hbm>>
      %dma_start3A_91 = tpu.memref_slice %arg3[%mul3A_2] : memref<819200xi32, #tpu.memory_space<hbm>> -> memref<25600xi32, #tpu.memory_space<hbm>>
      tpu.enqueue_dma source(%dma_start3A_91 : memref<25600xi32, #tpu.memory_space<hbm>>) target(%arg5 : memref<25600xi32, #tpu.memory_space<vmem>>) target_semaphore(%run_scoped3A : memref<!tpu.dma_semaphore, #tpu.memory_space<semaphore_mem>>)
      %dma_wait3A_92 = tpu.memref_slice %arg3[%mul3A_2] : memref<819200xi32, #tpu.memory_space<hbm>> -> memref<25600xi32, #tpu.memory_space<hbm>>
      %dma_wait3A_93 = tpu.memref_slice %arg3[%mul3A_2] : memref<819200xi32, #tpu.memory_space<hbm>> -> memref<25600xi32, #tpu.memory_space<hbm>>
      tpu.wait_dma2 semaphore(%run_scoped3A : memref<!tpu.dma_semaphore, #tpu.memory_space<semaphore_mem>>) src(%dma_wait3A_93 : memref<25600xi32, #tpu.memory_space<hbm>>) dst(%arg5 : memref<25600xi32, #tpu.memory_space<vmem>>)
      tpu.yield
    }) : () -> ()
    %dma_start3A = arith.constant 0 : i32
    %dma_start3A_3 = arith.constant 0 : i32
    %dma_start3A_4 = arith.constant 0 : i32
    %dma_start3A_5 = arith.constant 0 : i32
    %dma_start3A_6 = tpu.memref_slice %arg6[%dma_start3A, %dma_start3A_4, %dma_start3A_5] : memref<4x640x32xf32, #tpu.memory_space<vmem>> -> memref<1x640x32xf32, #tpu.memory_space<vmem>>
    %dma_start3A_7 = tpu.memref_squeeze %dma_start3A_6 : memref<1x640x32xf32, #tpu.memory_space<vmem>> -> memref<640x32xf32, #tpu.memory_space<vmem>>
    %dma_start3A_8 = arith.constant 0 : i32
    %dma_start3A_9 = tpu.memref_slice %arg5[%dma_start3A_8] : memref<25600xi32, #tpu.memory_space<vmem>> -> memref<640xi32, #tpu.memory_space<vmem>>
    %dma_start3A_10 = arith.constant 0 : i32
    %dma_start3A_11 = arith.constant 0 : i32
    %dma_start3A_12 = tpu.memref_slice %arg2[%dma_start3A_10, %dma_start3A_11] : memref<1000000x32xf32, #tpu.memory_space<hbm>> -> memref<1000000x32xf32, #tpu.memory_space<hbm>>
    %dma_start3A_13 = tpu.memref_slice %arg7[%dma_start3A_3] : memref<4x!tpu.dma_semaphore, #tpu.memory_space<semaphore_mem>> -> memref<1x!tpu.dma_semaphore, #tpu.memory_space<semaphore_mem>>
    %dma_start3A_14 = tpu.memref_squeeze %dma_start3A_13 : memref<1x!tpu.dma_semaphore, #tpu.memory_space<semaphore_mem>> -> memref<!tpu.dma_semaphore, #tpu.memory_space<semaphore_mem>>
    tpu.enqueue_indirect_dma source(%dma_start3A_12 : memref<1000000x32xf32, #tpu.memory_space<hbm>>) target(%dma_start3A_7 : memref<640x32xf32, #tpu.memory_space<vmem>>) offsets(%dma_start3A_9 : memref<640xi32, #tpu.memory_space<vmem>>) semaphore(%dma_start3A_14 : memref<!tpu.dma_semaphore, #tpu.memory_space<semaphore_mem>>)
    %scan3A = arith.constant 0 : i32
    %scan3A_15 = arith.constant 10 : i32
    %scan3A_16 = arith.addi %scan3A, %scan3A_15 : i32
    %scan3A_17 = arith.constant 1 : i32
    scf.for %scan3A_90 = %scan3A to %scan3A_16 step %scan3A_17  : i32 {
      %mul3A_91 = arith.constant 4 : i32
      %mul3A_92 = arith.muli %scan3A_90, %mul3A_91 : i32
      %add3A_93 = arith.constant 0 : i32
      %add3A_94 = arith.addi %add3A_93, %mul3A_92 : i32
      %add3A_95 = arith.constant 0 : i32
      %add3A_96 = arith.addi %add3A_94, %add3A_95 : i32
      %add3A_97 = arith.constant 1 : i32
      %add3A_98 = arith.addi %add3A_96, %add3A_97 : i32
      %lt3A = arith.constant 40 : i32
      %lt3A_99 = arith.cmpi slt, %add3A_98, %lt3A : i32
      %convert_element_type3A = arith.extui %lt3A_99 : i1 to i32
      %cond3A = arith.constant 0 : i32
      %cond3A_100 = arith.cmpi ne, %convert_element_type3A, %cond3A : i32
      scf.if %cond3A_100 {
        %ge3A = arith.constant 4 : i32
        %ge3A_260 = arith.cmpi sge, %add3A_98, %ge3A : i32
        %convert_element_type3A_261 = arith.extui %ge3A_260 : i1 to i32
        %cond3A_262 = arith.constant 0 : i32
        %cond3A_263 = arith.cmpi ne, %convert_element_type3A_261, %cond3A_262 : i32
        scf.if %cond3A_263 {
          %sub3A = arith.constant 4 : i32
          %sub3A_278 = arith.subi %add3A_98, %sub3A : i32
          %mul3A_279 = arith.constant 640 : i32
          %mul3A_280 = arith.muli %sub3A_278, %mul3A_279 : i32
          %add3A_281 = arith.addi %mul3A_2, %mul3A_280 : i32
          %dma_wait3A_282 = arith.constant 1 : i32
          %dma_wait3A_283 = arith.constant 1 : i32
          %dma_wait3A_284 = arith.constant 0 : i32
          %dma_wait3A_285 = arith.constant 0 : i32
          %dma_wait3A_286 = tpu.memref_slice %arg6[%dma_wait3A_282, %dma_wait3A_284, %dma_wait3A_285] : memref<4x640x32xf32, #tpu.memory_space<vmem>> -> memref<1x640x32xf32, #tpu.memory_space<vmem>>
          %dma_wait3A_287 = tpu.memref_squeeze %dma_wait3A_286 : memref<1x640x32xf32, #tpu.memory_space<vmem>> -> memref<640x32xf32, #tpu.memory_space<vmem>>
          %dma_wait3A_288 = arith.constant 0 : i32
          %dma_wait3A_289 = tpu.memref_slice %arg4[%add3A_281, %dma_wait3A_288] : memref<819200x32xf32, #tpu.memory_space<hbm>> -> memref<640x32xf32, #tpu.memory_space<hbm>>
          %dma_wait3A_290 = tpu.memref_slice %arg8[%dma_wait3A_283] : memref<4x!tpu.dma_semaphore, #tpu.memory_space<semaphore_mem>> -> memref<1x!tpu.dma_semaphore, #tpu.memory_space<semaphore_mem>>
          %dma_wait3A_291 = tpu.memref_squeeze %dma_wait3A_290 : memref<1x!tpu.dma_semaphore, #tpu.memory_space<semaphore_mem>> -> memref<!tpu.dma_semaphore, #tpu.memory_space<semaphore_mem>>
          %dma_wait3A_292 = arith.constant 0 : i32
          %dma_wait3A_293 = tpu.memref_slice %arg4[%add3A_281, %dma_wait3A_292] : memref<819200x32xf32, #tpu.memory_space<hbm>> -> memref<640x32xf32, #tpu.memory_space<hbm>>
          %dma_wait3A_294 = arith.constant 0 : i32
          %dma_wait3A_295 = arith.constant 0 : i32
          %dma_wait3A_296 = tpu.memref_slice %arg6[%dma_wait3A_282, %dma_wait3A_294, %dma_wait3A_295] : memref<4x640x32xf32, #tpu.memory_space<vmem>> -> memref<1x640x32xf32, #tpu.memory_space<vmem>>
          %dma_wait3A_297 = tpu.memref_squeeze %dma_wait3A_296 : memref<1x640x32xf32, #tpu.memory_space<vmem>> -> memref<640x32xf32, #tpu.memory_space<vmem>>
          tpu.wait_dma2 semaphore(%dma_wait3A_291 : memref<!tpu.dma_semaphore, #tpu.memory_space<semaphore_mem>>) src(%dma_wait3A_297 : memref<640x32xf32, #tpu.memory_space<vmem>>) dst(%dma_wait3A_293 : memref<640x32xf32, #tpu.memory_space<hbm>>)
        } else {
        }
        %mul3A_264 = arith.constant 640 : i32
        %mul3A_265 = arith.muli %add3A_98, %mul3A_264 : i32
        %dma_start3A_266 = arith.constant 1 : i32
        %dma_start3A_267 = arith.constant 1 : i32
        %dma_start3A_268 = arith.constant 0 : i32
        %dma_start3A_269 = arith.constant 0 : i32
        %dma_start3A_270 = tpu.memref_slice %arg6[%dma_start3A_266, %dma_start3A_268, %dma_start3A_269] : memref<4x640x32xf32, #tpu.memory_space<vmem>> -> memref<1x640x32xf32, #tpu.memory_space<vmem>>
        %dma_start3A_271 = tpu.memref_squeeze %dma_start3A_270 : memref<1x640x32xf32, #tpu.memory_space<vmem>> -> memref<640x32xf32, #tpu.memory_space<vmem>>
        %dma_start3A_272 = tpu.memref_slice %arg5[%mul3A_265] : memref<25600xi32, #tpu.memory_space<vmem>> -> memref<640xi32, #tpu.memory_space<vmem>>
        %dma_start3A_273 = arith.constant 0 : i32
        %dma_start3A_274 = arith.constant 0 : i32
        %dma_start3A_275 = tpu.memref_slice %arg2[%dma_start3A_273, %dma_start3A_274] : memref<1000000x32xf32, #tpu.memory_space<hbm>> -> memref<1000000x32xf32, #tpu.memory_space<hbm>>
        %dma_start3A_276 = tpu.memref_slice %arg7[%dma_start3A_267] : memref<4x!tpu.dma_semaphore, #tpu.memory_space<semaphore_mem>> -> memref<1x!tpu.dma_semaphore, #tpu.memory_space<semaphore_mem>>
        %dma_start3A_277 = tpu.memref_squeeze %dma_start3A_276 : memref<1x!tpu.dma_semaphore, #tpu.memory_space<semaphore_mem>> -> memref<!tpu.dma_semaphore, #tpu.memory_space<semaphore_mem>>
        tpu.enqueue_indirect_dma source(%dma_start3A_275 : memref<1000000x32xf32, #tpu.memory_space<hbm>>) target(%dma_start3A_271 : memref<640x32xf32, #tpu.memory_space<vmem>>) offsets(%dma_start3A_272 : memref<640xi32, #tpu.memory_space<vmem>>) semaphore(%dma_start3A_277 : memref<!tpu.dma_semaphore, #tpu.memory_space<semaphore_mem>>)
      } else {
      }
      %mul3A_101 = arith.constant 640 : i32
      %mul3A_102 = arith.muli %add3A_96, %mul3A_101 : i32
      %dma_wait3A_103 = arith.constant 0 : i32
      %dma_wait3A_104 = arith.constant 0 : i32
      %dma_wait3A_105 = arith.constant 0 : i32
      %dma_wait3A_106 = arith.constant 0 : i32
      %dma_wait3A_107 = tpu.memref_slice %arg6[%dma_wait3A_103, %dma_wait3A_105, %dma_wait3A_106] : memref<4x640x32xf32, #tpu.memory_space<vmem>> -> memref<1x640x32xf32, #tpu.memory_space<vmem>>
      %dma_wait3A_108 = tpu.memref_squeeze %dma_wait3A_107 : memref<1x640x32xf32, #tpu.memory_space<vmem>> -> memref<640x32xf32, #tpu.memory_space<vmem>>
      %dma_wait3A_109 = tpu.memref_slice %arg5[%mul3A_102] : memref<25600xi32, #tpu.memory_space<vmem>> -> memref<640xi32, #tpu.memory_space<vmem>>
      %dma_wait3A_110 = arith.constant 0 : i32
      %dma_wait3A_111 = arith.constant 0 : i32
      %dma_wait3A_112 = tpu.memref_slice %arg2[%dma_wait3A_110, %dma_wait3A_111] : memref<1000000x32xf32, #tpu.memory_space<hbm>> -> memref<1000000x32xf32, #tpu.memory_space<hbm>>
      %dma_wait3A_113 = tpu.memref_slice %arg7[%dma_wait3A_104] : memref<4x!tpu.dma_semaphore, #tpu.memory_space<semaphore_mem>> -> memref<1x!tpu.dma_semaphore, #tpu.memory_space<semaphore_mem>>
      %dma_wait3A_114 = tpu.memref_squeeze %dma_wait3A_113 : memref<1x!tpu.dma_semaphore, #tpu.memory_space<semaphore_mem>> -> memref<!tpu.dma_semaphore, #tpu.memory_space<semaphore_mem>>
      tpu.wait_indirect_dma semaphore(%dma_wait3A_114 : memref<!tpu.dma_semaphore, #tpu.memory_space<semaphore_mem>>) src(%dma_wait3A_112 : memref<1000000x32xf32, #tpu.memory_space<hbm>>) dst(%dma_wait3A_108 : memref<640x32xf32, #tpu.memory_space<vmem>>)
      %mul3A_115 = arith.constant 640 : i32
      %mul3A_116 = arith.muli %add3A_96, %mul3A_115 : i32
      %add3A_117 = arith.addi %mul3A_2, %mul3A_116 : i32
      %dma_start3A_118 = arith.constant 0 : i32
      %dma_start3A_119 = arith.constant 0 : i32
      %dma_start3A_120 = arith.constant 0 : i32
      %dma_start3A_121 = arith.constant 0 : i32
      %dma_start3A_122 = tpu.memref_slice %arg6[%dma_start3A_118, %dma_start3A_120, %dma_start3A_121] : memref<4x640x32xf32, #tpu.memory_space<vmem>> -> memref<1x640x32xf32, #tpu.memory_space<vmem>>
      %dma_start3A_123 = tpu.memref_squeeze %dma_start3A_122 : memref<1x640x32xf32, #tpu.memory_space<vmem>> -> memref<640x32xf32, #tpu.memory_space<vmem>>
      %dma_start3A_124 = arith.constant 0 : i32
      %dma_start3A_125 = tpu.memref_slice %arg4[%add3A_117, %dma_start3A_124] : memref<819200x32xf32, #tpu.memory_space<hbm>> -> memref<640x32xf32, #tpu.memory_space<hbm>>
      %dma_start3A_126 = tpu.memref_slice %arg8[%dma_start3A_119] : memref<4x!tpu.dma_semaphore, #tpu.memory_space<semaphore_mem>> -> memref<1x!tpu.dma_semaphore, #tpu.memory_space<semaphore_mem>>
      %dma_start3A_127 = tpu.memref_squeeze %dma_start3A_126 : memref<1x!tpu.dma_semaphore, #tpu.memory_space<semaphore_mem>> -> memref<!tpu.dma_semaphore, #tpu.memory_space<semaphore_mem>>
      %dma_start3A_128 = arith.constant 0 : i32
      %dma_start3A_129 = tpu.memref_slice %arg4[%add3A_117, %dma_start3A_128] : memref<819200x32xf32, #tpu.memory_space<hbm>> -> memref<640x32xf32, #tpu.memory_space<hbm>>
      %dma_start3A_130 = arith.constant 0 : i32
      %dma_start3A_131 = arith.constant 0 : i32
      %dma_start3A_132 = tpu.memref_slice %arg6[%dma_start3A_118, %dma_start3A_130, %dma_start3A_131] : memref<4x640x32xf32, #tpu.memory_space<vmem>> -> memref<1x640x32xf32, #tpu.memory_space<vmem>>
      %dma_start3A_133 = tpu.memref_squeeze %dma_start3A_132 : memref<1x640x32xf32, #tpu.memory_space<vmem>> -> memref<640x32xf32, #tpu.memory_space<vmem>>
      tpu.enqueue_dma source(%dma_start3A_133 : memref<640x32xf32, #tpu.memory_space<vmem>>) target(%dma_start3A_129 : memref<640x32xf32, #tpu.memory_space<hbm>>) target_semaphore(%dma_start3A_127 : memref<!tpu.dma_semaphore, #tpu.memory_space<semaphore_mem>>)
      %add3A_134 = arith.constant 1 : i32
      %add3A_135 = arith.addi %add3A_94, %add3A_134 : i32
      %add3A_136 = arith.constant 1 : i32
      %add3A_137 = arith.addi %add3A_135, %add3A_136 : i32
      %lt3A_138 = arith.constant 40 : i32
      %lt3A_139 = arith.cmpi slt, %add3A_137, %lt3A_138 : i32
      %convert_element_type3A_140 = arith.extui %lt3A_139 : i1 to i32
      %cond3A_141 = arith.constant 0 : i32
      %cond3A_142 = arith.cmpi ne, %convert_element_type3A_140, %cond3A_141 : i32
      scf.if %cond3A_142 {
        %ge3A = arith.constant 4 : i32
        %ge3A_260 = arith.cmpi sge, %add3A_137, %ge3A : i32
        %convert_element_type3A_261 = arith.extui %ge3A_260 : i1 to i32
        %cond3A_262 = arith.constant 0 : i32
        %cond3A_263 = arith.cmpi ne, %convert_element_type3A_261, %cond3A_262 : i32
        scf.if %cond3A_263 {
          %sub3A = arith.constant 4 : i32
          %sub3A_278 = arith.subi %add3A_137, %sub3A : i32
          %mul3A_279 = arith.constant 640 : i32
          %mul3A_280 = arith.muli %sub3A_278, %mul3A_279 : i32
          %add3A_281 = arith.addi %mul3A_2, %mul3A_280 : i32
          %dma_wait3A_282 = arith.constant 2 : i32
          %dma_wait3A_283 = arith.constant 2 : i32
          %dma_wait3A_284 = arith.constant 0 : i32
          %dma_wait3A_285 = arith.constant 0 : i32
          %dma_wait3A_286 = tpu.memref_slice %arg6[%dma_wait3A_282, %dma_wait3A_284, %dma_wait3A_285] : memref<4x640x32xf32, #tpu.memory_space<vmem>> -> memref<1x640x32xf32, #tpu.memory_space<vmem>>
          %dma_wait3A_287 = tpu.memref_squeeze %dma_wait3A_286 : memref<1x640x32xf32, #tpu.memory_space<vmem>> -> memref<640x32xf32, #tpu.memory_space<vmem>>
          %dma_wait3A_288 = arith.constant 0 : i32
          %dma_wait3A_289 = tpu.memref_slice %arg4[%add3A_281, %dma_wait3A_288] : memref<819200x32xf32, #tpu.memory_space<hbm>> -> memref<640x32xf32, #tpu.memory_space<hbm>>
          %dma_wait3A_290 = tpu.memref_slice %arg8[%dma_wait3A_283] : memref<4x!tpu.dma_semaphore, #tpu.memory_space<semaphore_mem>> -> memref<1x!tpu.dma_semaphore, #tpu.memory_space<semaphore_mem>>
          %dma_wait3A_291 = tpu.memref_squeeze %dma_wait3A_290 : memref<1x!tpu.dma_semaphore, #tpu.memory_space<semaphore_mem>> -> memref<!tpu.dma_semaphore, #tpu.memory_space<semaphore_mem>>
          %dma_wait3A_292 = arith.constant 0 : i32
          %dma_wait3A_293 = tpu.memref_slice %arg4[%add3A_281, %dma_wait3A_292] : memref<819200x32xf32, #tpu.memory_space<hbm>> -> memref<640x32xf32, #tpu.memory_space<hbm>>
          %dma_wait3A_294 = arith.constant 0 : i32
          %dma_wait3A_295 = arith.constant 0 : i32
          %dma_wait3A_296 = tpu.memref_slice %arg6[%dma_wait3A_282, %dma_wait3A_294, %dma_wait3A_295] : memref<4x640x32xf32, #tpu.memory_space<vmem>> -> memref<1x640x32xf32, #tpu.memory_space<vmem>>
          %dma_wait3A_297 = tpu.memref_squeeze %dma_wait3A_296 : memref<1x640x32xf32, #tpu.memory_space<vmem>> -> memref<640x32xf32, #tpu.memory_space<vmem>>
          tpu.wait_dma2 semaphore(%dma_wait3A_291 : memref<!tpu.dma_semaphore, #tpu.memory_space<semaphore_mem>>) src(%dma_wait3A_297 : memref<640x32xf32, #tpu.memory_space<vmem>>) dst(%dma_wait3A_293 : memref<640x32xf32, #tpu.memory_space<hbm>>)
        } else {
        }
        %mul3A_264 = arith.constant 640 : i32
        %mul3A_265 = arith.muli %add3A_137, %mul3A_264 : i32
        %dma_start3A_266 = arith.constant 2 : i32
        %dma_start3A_267 = arith.constant 2 : i32
        %dma_start3A_268 = arith.constant 0 : i32
        %dma_start3A_269 = arith.constant 0 : i32
        %dma_start3A_270 = tpu.memref_slice %arg6[%dma_start3A_266, %dma_start3A_268, %dma_start3A_269] : memref<4x640x32xf32, #tpu.memory_space<vmem>> -> memref<1x640x32xf32, #tpu.memory_space<vmem>>
        %dma_start3A_271 = tpu.memref_squeeze %dma_start3A_270 : memref<1x640x32xf32, #tpu.memory_space<vmem>> -> memref<640x32xf32, #tpu.memory_space<vmem>>
        %dma_start3A_272 = tpu.memref_slice %arg5[%mul3A_265] : memref<25600xi32, #tpu.memory_space<vmem>> -> memref<640xi32, #tpu.memory_space<vmem>>
        %dma_start3A_273 = arith.constant 0 : i32
        %dma_start3A_274 = arith.constant 0 : i32
        %dma_start3A_275 = tpu.memref_slice %arg2[%dma_start3A_273, %dma_start3A_274] : memref<1000000x32xf32, #tpu.memory_space<hbm>> -> memref<1000000x32xf32, #tpu.memory_space<hbm>>
        %dma_start3A_276 = tpu.memref_slice %arg7[%dma_start3A_267] : memref<4x!tpu.dma_semaphore, #tpu.memory_space<semaphore_mem>> -> memref<1x!tpu.dma_semaphore, #tpu.memory_space<semaphore_mem>>
        %dma_start3A_277 = tpu.memref_squeeze %dma_start3A_276 : memref<1x!tpu.dma_semaphore, #tpu.memory_space<semaphore_mem>> -> memref<!tpu.dma_semaphore, #tpu.memory_space<semaphore_mem>>
        tpu.enqueue_indirect_dma source(%dma_start3A_275 : memref<1000000x32xf32, #tpu.memory_space<hbm>>) target(%dma_start3A_271 : memref<640x32xf32, #tpu.memory_space<vmem>>) offsets(%dma_start3A_272 : memref<640xi32, #tpu.memory_space<vmem>>) semaphore(%dma_start3A_277 : memref<!tpu.dma_semaphore, #tpu.memory_space<semaphore_mem>>)
      } else {
      }
      %mul3A_143 = arith.constant 640 : i32
      %mul3A_144 = arith.muli %add3A_135, %mul3A_143 : i32
      %dma_wait3A_145 = arith.constant 1 : i32
      %dma_wait3A_146 = arith.constant 1 : i32
      %dma_wait3A_147 = arith.constant 0 : i32
      %dma_wait3A_148 = arith.constant 0 : i32
      %dma_wait3A_149 = tpu.memref_slice %arg6[%dma_wait3A_145, %dma_wait3A_147, %dma_wait3A_148] : memref<4x640x32xf32, #tpu.memory_space<vmem>> -> memref<1x640x32xf32, #tpu.memory_space<vmem>>
      %dma_wait3A_150 = tpu.memref_squeeze %dma_wait3A_149 : memref<1x640x32xf32, #tpu.memory_space<vmem>> -> memref<640x32xf32, #tpu.memory_space<vmem>>
      %dma_wait3A_151 = tpu.memref_slice %arg5[%mul3A_144] : memref<25600xi32, #tpu.memory_space<vmem>> -> memref<640xi32, #tpu.memory_space<vmem>>
      %dma_wait3A_152 = arith.constant 0 : i32
      %dma_wait3A_153 = arith.constant 0 : i32
      %dma_wait3A_154 = tpu.memref_slice %arg2[%dma_wait3A_152, %dma_wait3A_153] : memref<1000000x32xf32, #tpu.memory_space<hbm>> -> memref<1000000x32xf32, #tpu.memory_space<hbm>>
      %dma_wait3A_155 = tpu.memref_slice %arg7[%dma_wait3A_146] : memref<4x!tpu.dma_semaphore, #tpu.memory_space<semaphore_mem>> -> memref<1x!tpu.dma_semaphore, #tpu.memory_space<semaphore_mem>>
      %dma_wait3A_156 = tpu.memref_squeeze %dma_wait3A_155 : memref<1x!tpu.dma_semaphore, #tpu.memory_space<semaphore_mem>> -> memref<!tpu.dma_semaphore, #tpu.memory_space<semaphore_mem>>
      tpu.wait_indirect_dma semaphore(%dma_wait3A_156 : memref<!tpu.dma_semaphore, #tpu.memory_space<semaphore_mem>>) src(%dma_wait3A_154 : memref<1000000x32xf32, #tpu.memory_space<hbm>>) dst(%dma_wait3A_150 : memref<640x32xf32, #tpu.memory_space<vmem>>)
      %mul3A_157 = arith.constant 640 : i32
      %mul3A_158 = arith.muli %add3A_135, %mul3A_157 : i32
      %add3A_159 = arith.addi %mul3A_2, %mul3A_158 : i32
      %dma_start3A_160 = arith.constant 1 : i32
      %dma_start3A_161 = arith.constant 1 : i32
      %dma_start3A_162 = arith.constant 0 : i32
      %dma_start3A_163 = arith.constant 0 : i32
      %dma_start3A_164 = tpu.memref_slice %arg6[%dma_start3A_160, %dma_start3A_162, %dma_start3A_163] : memref<4x640x32xf32, #tpu.memory_space<vmem>> -> memref<1x640x32xf32, #tpu.memory_space<vmem>>
      %dma_start3A_165 = tpu.memref_squeeze %dma_start3A_164 : memref<1x640x32xf32, #tpu.memory_space<vmem>> -> memref<640x32xf32, #tpu.memory_space<vmem>>
      %dma_start3A_166 = arith.constant 0 : i32
      %dma_start3A_167 = tpu.memref_slice %arg4[%add3A_159, %dma_start3A_166] : memref<819200x32xf32, #tpu.memory_space<hbm>> -> memref<640x32xf32, #tpu.memory_space<hbm>>
      %dma_start3A_168 = tpu.memref_slice %arg8[%dma_start3A_161] : memref<4x!tpu.dma_semaphore, #tpu.memory_space<semaphore_mem>> -> memref<1x!tpu.dma_semaphore, #tpu.memory_space<semaphore_mem>>
      %dma_start3A_169 = tpu.memref_squeeze %dma_start3A_168 : memref<1x!tpu.dma_semaphore, #tpu.memory_space<semaphore_mem>> -> memref<!tpu.dma_semaphore, #tpu.memory_space<semaphore_mem>>
      %dma_start3A_170 = arith.constant 0 : i32
      %dma_start3A_171 = tpu.memref_slice %arg4[%add3A_159, %dma_start3A_170] : memref<819200x32xf32, #tpu.memory_space<hbm>> -> memref<640x32xf32, #tpu.memory_space<hbm>>
      %dma_start3A_172 = arith.constant 0 : i32
      %dma_start3A_173 = arith.constant 0 : i32
      %dma_start3A_174 = tpu.memref_slice %arg6[%dma_start3A_160, %dma_start3A_172, %dma_start3A_173] : memref<4x640x32xf32, #tpu.memory_space<vmem>> -> memref<1x640x32xf32, #tpu.memory_space<vmem>>
      %dma_start3A_175 = tpu.memref_squeeze %dma_start3A_174 : memref<1x640x32xf32, #tpu.memory_space<vmem>> -> memref<640x32xf32, #tpu.memory_space<vmem>>
      tpu.enqueue_dma source(%dma_start3A_175 : memref<640x32xf32, #tpu.memory_space<vmem>>) target(%dma_start3A_171 : memref<640x32xf32, #tpu.memory_space<hbm>>) target_semaphore(%dma_start3A_169 : memref<!tpu.dma_semaphore, #tpu.memory_space<semaphore_mem>>)
      %add3A_176 = arith.constant 2 : i32
      %add3A_177 = arith.addi %add3A_94, %add3A_176 : i32
      %add3A_178 = arith.constant 1 : i32
      %add3A_179 = arith.addi %add3A_177, %add3A_178 : i32
      %lt3A_180 = arith.constant 40 : i32
      %lt3A_181 = arith.cmpi slt, %add3A_179, %lt3A_180 : i32
      %convert_element_type3A_182 = arith.extui %lt3A_181 : i1 to i32
      %cond3A_183 = arith.constant 0 : i32
      %cond3A_184 = arith.cmpi ne, %convert_element_type3A_182, %cond3A_183 : i32
      scf.if %cond3A_184 {
        %ge3A = arith.constant 4 : i32
        %ge3A_260 = arith.cmpi sge, %add3A_179, %ge3A : i32
        %convert_element_type3A_261 = arith.extui %ge3A_260 : i1 to i32
        %cond3A_262 = arith.constant 0 : i32
        %cond3A_263 = arith.cmpi ne, %convert_element_type3A_261, %cond3A_262 : i32
        scf.if %cond3A_263 {
          %sub3A = arith.constant 4 : i32
          %sub3A_278 = arith.subi %add3A_179, %sub3A : i32
          %mul3A_279 = arith.constant 640 : i32
          %mul3A_280 = arith.muli %sub3A_278, %mul3A_279 : i32
          %add3A_281 = arith.addi %mul3A_2, %mul3A_280 : i32
          %dma_wait3A_282 = arith.constant 3 : i32
          %dma_wait3A_283 = arith.constant 3 : i32
          %dma_wait3A_284 = arith.constant 0 : i32
          %dma_wait3A_285 = arith.constant 0 : i32
          %dma_wait3A_286 = tpu.memref_slice %arg6[%dma_wait3A_282, %dma_wait3A_284, %dma_wait3A_285] : memref<4x640x32xf32, #tpu.memory_space<vmem>> -> memref<1x640x32xf32, #tpu.memory_space<vmem>>
          %dma_wait3A_287 = tpu.memref_squeeze %dma_wait3A_286 : memref<1x640x32xf32, #tpu.memory_space<vmem>> -> memref<640x32xf32, #tpu.memory_space<vmem>>
          %dma_wait3A_288 = arith.constant 0 : i32
          %dma_wait3A_289 = tpu.memref_slice %arg4[%add3A_281, %dma_wait3A_288] : memref<819200x32xf32, #tpu.memory_space<hbm>> -> memref<640x32xf32, #tpu.memory_space<hbm>>
          %dma_wait3A_290 = tpu.memref_slice %arg8[%dma_wait3A_283] : memref<4x!tpu.dma_semaphore, #tpu.memory_space<semaphore_mem>> -> memref<1x!tpu.dma_semaphore, #tpu.memory_space<semaphore_mem>>
          %dma_wait3A_291 = tpu.memref_squeeze %dma_wait3A_290 : memref<1x!tpu.dma_semaphore, #tpu.memory_space<semaphore_mem>> -> memref<!tpu.dma_semaphore, #tpu.memory_space<semaphore_mem>>
          %dma_wait3A_292 = arith.constant 0 : i32
          %dma_wait3A_293 = tpu.memref_slice %arg4[%add3A_281, %dma_wait3A_292] : memref<819200x32xf32, #tpu.memory_space<hbm>> -> memref<640x32xf32, #tpu.memory_space<hbm>>
          %dma_wait3A_294 = arith.constant 0 : i32
          %dma_wait3A_295 = arith.constant 0 : i32
          %dma_wait3A_296 = tpu.memref_slice %arg6[%dma_wait3A_282, %dma_wait3A_294, %dma_wait3A_295] : memref<4x640x32xf32, #tpu.memory_space<vmem>> -> memref<1x640x32xf32, #tpu.memory_space<vmem>>
          %dma_wait3A_297 = tpu.memref_squeeze %dma_wait3A_296 : memref<1x640x32xf32, #tpu.memory_space<vmem>> -> memref<640x32xf32, #tpu.memory_space<vmem>>
          tpu.wait_dma2 semaphore(%dma_wait3A_291 : memref<!tpu.dma_semaphore, #tpu.memory_space<semaphore_mem>>) src(%dma_wait3A_297 : memref<640x32xf32, #tpu.memory_space<vmem>>) dst(%dma_wait3A_293 : memref<640x32xf32, #tpu.memory_space<hbm>>)
        } else {
        }
        %mul3A_264 = arith.constant 640 : i32
        %mul3A_265 = arith.muli %add3A_179, %mul3A_264 : i32
        %dma_start3A_266 = arith.constant 3 : i32
        %dma_start3A_267 = arith.constant 3 : i32
        %dma_start3A_268 = arith.constant 0 : i32
        %dma_start3A_269 = arith.constant 0 : i32
        %dma_start3A_270 = tpu.memref_slice %arg6[%dma_start3A_266, %dma_start3A_268, %dma_start3A_269] : memref<4x640x32xf32, #tpu.memory_space<vmem>> -> memref<1x640x32xf32, #tpu.memory_space<vmem>>
        %dma_start3A_271 = tpu.memref_squeeze %dma_start3A_270 : memref<1x640x32xf32, #tpu.memory_space<vmem>> -> memref<640x32xf32, #tpu.memory_space<vmem>>
        %dma_start3A_272 = tpu.memref_slice %arg5[%mul3A_265] : memref<25600xi32, #tpu.memory_space<vmem>> -> memref<640xi32, #tpu.memory_space<vmem>>
        %dma_start3A_273 = arith.constant 0 : i32
        %dma_start3A_274 = arith.constant 0 : i32
        %dma_start3A_275 = tpu.memref_slice %arg2[%dma_start3A_273, %dma_start3A_274] : memref<1000000x32xf32, #tpu.memory_space<hbm>> -> memref<1000000x32xf32, #tpu.memory_space<hbm>>
        %dma_start3A_276 = tpu.memref_slice %arg7[%dma_start3A_267] : memref<4x!tpu.dma_semaphore, #tpu.memory_space<semaphore_mem>> -> memref<1x!tpu.dma_semaphore, #tpu.memory_space<semaphore_mem>>
        %dma_start3A_277 = tpu.memref_squeeze %dma_start3A_276 : memref<1x!tpu.dma_semaphore, #tpu.memory_space<semaphore_mem>> -> memref<!tpu.dma_semaphore, #tpu.memory_space<semaphore_mem>>
        tpu.enqueue_indirect_dma source(%dma_start3A_275 : memref<1000000x32xf32, #tpu.memory_space<hbm>>) target(%dma_start3A_271 : memref<640x32xf32, #tpu.memory_space<vmem>>) offsets(%dma_start3A_272 : memref<640xi32, #tpu.memory_space<vmem>>) semaphore(%dma_start3A_277 : memref<!tpu.dma_semaphore, #tpu.memory_space<semaphore_mem>>)
      } else {
      }
      %mul3A_185 = arith.constant 640 : i32
      %mul3A_186 = arith.muli %add3A_177, %mul3A_185 : i32
      %dma_wait3A_187 = arith.constant 2 : i32
      %dma_wait3A_188 = arith.constant 2 : i32
      %dma_wait3A_189 = arith.constant 0 : i32
      %dma_wait3A_190 = arith.constant 0 : i32
      %dma_wait3A_191 = tpu.memref_slice %arg6[%dma_wait3A_187, %dma_wait3A_189, %dma_wait3A_190] : memref<4x640x32xf32, #tpu.memory_space<vmem>> -> memref<1x640x32xf32, #tpu.memory_space<vmem>>
      %dma_wait3A_192 = tpu.memref_squeeze %dma_wait3A_191 : memref<1x640x32xf32, #tpu.memory_space<vmem>> -> memref<640x32xf32, #tpu.memory_space<vmem>>
      %dma_wait3A_193 = tpu.memref_slice %arg5[%mul3A_186] : memref<25600xi32, #tpu.memory_space<vmem>> -> memref<640xi32, #tpu.memory_space<vmem>>
      %dma_wait3A_194 = arith.constant 0 : i32
      %dma_wait3A_195 = arith.constant 0 : i32
      %dma_wait3A_196 = tpu.memref_slice %arg2[%dma_wait3A_194, %dma_wait3A_195] : memref<1000000x32xf32, #tpu.memory_space<hbm>> -> memref<1000000x32xf32, #tpu.memory_space<hbm>>
      %dma_wait3A_197 = tpu.memref_slice %arg7[%dma_wait3A_188] : memref<4x!tpu.dma_semaphore, #tpu.memory_space<semaphore_mem>> -> memref<1x!tpu.dma_semaphore, #tpu.memory_space<semaphore_mem>>
      %dma_wait3A_198 = tpu.memref_squeeze %dma_wait3A_197 : memref<1x!tpu.dma_semaphore, #tpu.memory_space<semaphore_mem>> -> memref<!tpu.dma_semaphore, #tpu.memory_space<semaphore_mem>>
      tpu.wait_indirect_dma semaphore(%dma_wait3A_198 : memref<!tpu.dma_semaphore, #tpu.memory_space<semaphore_mem>>) src(%dma_wait3A_196 : memref<1000000x32xf32, #tpu.memory_space<hbm>>) dst(%dma_wait3A_192 : memref<640x32xf32, #tpu.memory_space<vmem>>)
      %mul3A_199 = arith.constant 640 : i32
      %mul3A_200 = arith.muli %add3A_177, %mul3A_199 : i32
      %add3A_201 = arith.addi %mul3A_2, %mul3A_200 : i32
      %dma_start3A_202 = arith.constant 2 : i32
      %dma_start3A_203 = arith.constant 2 : i32
      %dma_start3A_204 = arith.constant 0 : i32
      %dma_start3A_205 = arith.constant 0 : i32
      %dma_start3A_206 = tpu.memref_slice %arg6[%dma_start3A_202, %dma_start3A_204, %dma_start3A_205] : memref<4x640x32xf32, #tpu.memory_space<vmem>> -> memref<1x640x32xf32, #tpu.memory_space<vmem>>
      %dma_start3A_207 = tpu.memref_squeeze %dma_start3A_206 : memref<1x640x32xf32, #tpu.memory_space<vmem>> -> memref<640x32xf32, #tpu.memory_space<vmem>>
      %dma_start3A_208 = arith.constant 0 : i32
      %dma_start3A_209 = tpu.memref_slice %arg4[%add3A_201, %dma_start3A_208] : memref<819200x32xf32, #tpu.memory_space<hbm>> -> memref<640x32xf32, #tpu.memory_space<hbm>>
      %dma_start3A_210 = tpu.memref_slice %arg8[%dma_start3A_203] : memref<4x!tpu.dma_semaphore, #tpu.memory_space<semaphore_mem>> -> memref<1x!tpu.dma_semaphore, #tpu.memory_space<semaphore_mem>>
      %dma_start3A_211 = tpu.memref_squeeze %dma_start3A_210 : memref<1x!tpu.dma_semaphore, #tpu.memory_space<semaphore_mem>> -> memref<!tpu.dma_semaphore, #tpu.memory_space<semaphore_mem>>
      %dma_start3A_212 = arith.constant 0 : i32
      %dma_start3A_213 = tpu.memref_slice %arg4[%add3A_201, %dma_start3A_212] : memref<819200x32xf32, #tpu.memory_space<hbm>> -> memref<640x32xf32, #tpu.memory_space<hbm>>
      %dma_start3A_214 = arith.constant 0 : i32
      %dma_start3A_215 = arith.constant 0 : i32
      %dma_start3A_216 = tpu.memref_slice %arg6[%dma_start3A_202, %dma_start3A_214, %dma_start3A_215] : memref<4x640x32xf32, #tpu.memory_space<vmem>> -> memref<1x640x32xf32, #tpu.memory_space<vmem>>
      %dma_start3A_217 = tpu.memref_squeeze %dma_start3A_216 : memref<1x640x32xf32, #tpu.memory_space<vmem>> -> memref<640x32xf32, #tpu.memory_space<vmem>>
      tpu.enqueue_dma source(%dma_start3A_217 : memref<640x32xf32, #tpu.memory_space<vmem>>) target(%dma_start3A_213 : memref<640x32xf32, #tpu.memory_space<hbm>>) target_semaphore(%dma_start3A_211 : memref<!tpu.dma_semaphore, #tpu.memory_space<semaphore_mem>>)
      %add3A_218 = arith.constant 3 : i32
      %add3A_219 = arith.addi %add3A_94, %add3A_218 : i32
      %add3A_220 = arith.constant 1 : i32
      %add3A_221 = arith.addi %add3A_219, %add3A_220 : i32
      %lt3A_222 = arith.constant 40 : i32
      %lt3A_223 = arith.cmpi slt, %add3A_221, %lt3A_222 : i32
      %convert_element_type3A_224 = arith.extui %lt3A_223 : i1 to i32
      %cond3A_225 = arith.constant 0 : i32
      %cond3A_226 = arith.cmpi ne, %convert_element_type3A_224, %cond3A_225 : i32
      scf.if %cond3A_226 {
        %ge3A = arith.constant 4 : i32
        %ge3A_260 = arith.cmpi sge, %add3A_221, %ge3A : i32
        %convert_element_type3A_261 = arith.extui %ge3A_260 : i1 to i32
        %cond3A_262 = arith.constant 0 : i32
        %cond3A_263 = arith.cmpi ne, %convert_element_type3A_261, %cond3A_262 : i32
        scf.if %cond3A_263 {
          %sub3A = arith.constant 4 : i32
          %sub3A_278 = arith.subi %add3A_221, %sub3A : i32
          %mul3A_279 = arith.constant 640 : i32
          %mul3A_280 = arith.muli %sub3A_278, %mul3A_279 : i32
          %add3A_281 = arith.addi %mul3A_2, %mul3A_280 : i32
          %dma_wait3A_282 = arith.constant 0 : i32
          %dma_wait3A_283 = arith.constant 0 : i32
          %dma_wait3A_284 = arith.constant 0 : i32
          %dma_wait3A_285 = arith.constant 0 : i32
          %dma_wait3A_286 = tpu.memref_slice %arg6[%dma_wait3A_282, %dma_wait3A_284, %dma_wait3A_285] : memref<4x640x32xf32, #tpu.memory_space<vmem>> -> memref<1x640x32xf32, #tpu.memory_space<vmem>>
          %dma_wait3A_287 = tpu.memref_squeeze %dma_wait3A_286 : memref<1x640x32xf32, #tpu.memory_space<vmem>> -> memref<640x32xf32, #tpu.memory_space<vmem>>
          %dma_wait3A_288 = arith.constant 0 : i32
          %dma_wait3A_289 = tpu.memref_slice %arg4[%add3A_281, %dma_wait3A_288] : memref<819200x32xf32, #tpu.memory_space<hbm>> -> memref<640x32xf32, #tpu.memory_space<hbm>>
          %dma_wait3A_290 = tpu.memref_slice %arg8[%dma_wait3A_283] : memref<4x!tpu.dma_semaphore, #tpu.memory_space<semaphore_mem>> -> memref<1x!tpu.dma_semaphore, #tpu.memory_space<semaphore_mem>>
          %dma_wait3A_291 = tpu.memref_squeeze %dma_wait3A_290 : memref<1x!tpu.dma_semaphore, #tpu.memory_space<semaphore_mem>> -> memref<!tpu.dma_semaphore, #tpu.memory_space<semaphore_mem>>
          %dma_wait3A_292 = arith.constant 0 : i32
          %dma_wait3A_293 = tpu.memref_slice %arg4[%add3A_281, %dma_wait3A_292] : memref<819200x32xf32, #tpu.memory_space<hbm>> -> memref<640x32xf32, #tpu.memory_space<hbm>>
          %dma_wait3A_294 = arith.constant 0 : i32
          %dma_wait3A_295 = arith.constant 0 : i32
          %dma_wait3A_296 = tpu.memref_slice %arg6[%dma_wait3A_282, %dma_wait3A_294, %dma_wait3A_295] : memref<4x640x32xf32, #tpu.memory_space<vmem>> -> memref<1x640x32xf32, #tpu.memory_space<vmem>>
          %dma_wait3A_297 = tpu.memref_squeeze %dma_wait3A_296 : memref<1x640x32xf32, #tpu.memory_space<vmem>> -> memref<640x32xf32, #tpu.memory_space<vmem>>
          tpu.wait_dma2 semaphore(%dma_wait3A_291 : memref<!tpu.dma_semaphore, #tpu.memory_space<semaphore_mem>>) src(%dma_wait3A_297 : memref<640x32xf32, #tpu.memory_space<vmem>>) dst(%dma_wait3A_293 : memref<640x32xf32, #tpu.memory_space<hbm>>)
        } else {
        }
        %mul3A_264 = arith.constant 640 : i32
        %mul3A_265 = arith.muli %add3A_221, %mul3A_264 : i32
        %dma_start3A_266 = arith.constant 0 : i32
        %dma_start3A_267 = arith.constant 0 : i32
        %dma_start3A_268 = arith.constant 0 : i32
        %dma_start3A_269 = arith.constant 0 : i32
        %dma_start3A_270 = tpu.memref_slice %arg6[%dma_start3A_266, %dma_start3A_268, %dma_start3A_269] : memref<4x640x32xf32, #tpu.memory_space<vmem>> -> memref<1x640x32xf32, #tpu.memory_space<vmem>>
        %dma_start3A_271 = tpu.memref_squeeze %dma_start3A_270 : memref<1x640x32xf32, #tpu.memory_space<vmem>> -> memref<640x32xf32, #tpu.memory_space<vmem>>
        %dma_start3A_272 = tpu.memref_slice %arg5[%mul3A_265] : memref<25600xi32, #tpu.memory_space<vmem>> -> memref<640xi32, #tpu.memory_space<vmem>>
        %dma_start3A_273 = arith.constant 0 : i32
        %dma_start3A_274 = arith.constant 0 : i32
        %dma_start3A_275 = tpu.memref_slice %arg2[%dma_start3A_273, %dma_start3A_274] : memref<1000000x32xf32, #tpu.memory_space<hbm>> -> memref<1000000x32xf32, #tpu.memory_space<hbm>>
        %dma_start3A_276 = tpu.memref_slice %arg7[%dma_start3A_267] : memref<4x!tpu.dma_semaphore, #tpu.memory_space<semaphore_mem>> -> memref<1x!tpu.dma_semaphore, #tpu.memory_space<semaphore_mem>>
        %dma_start3A_277 = tpu.memref_squeeze %dma_start3A_276 : memref<1x!tpu.dma_semaphore, #tpu.memory_space<semaphore_mem>> -> memref<!tpu.dma_semaphore, #tpu.memory_space<semaphore_mem>>
        tpu.enqueue_indirect_dma source(%dma_start3A_275 : memref<1000000x32xf32, #tpu.memory_space<hbm>>) target(%dma_start3A_271 : memref<640x32xf32, #tpu.memory_space<vmem>>) offsets(%dma_start3A_272 : memref<640xi32, #tpu.memory_space<vmem>>) semaphore(%dma_start3A_277 : memref<!tpu.dma_semaphore, #tpu.memory_space<semaphore_mem>>)
      } else {
      }
      %mul3A_227 = arith.constant 640 : i32
      %mul3A_228 = arith.muli %add3A_219, %mul3A_227 : i32
      %dma_wait3A_229 = arith.constant 3 : i32
      %dma_wait3A_230 = arith.constant 3 : i32
      %dma_wait3A_231 = arith.constant 0 : i32
      %dma_wait3A_232 = arith.constant 0 : i32
      %dma_wait3A_233 = tpu.memref_slice %arg6[%dma_wait3A_229, %dma_wait3A_231, %dma_wait3A_232] : memref<4x640x32xf32, #tpu.memory_space<vmem>> -> memref<1x640x32xf32, #tpu.memory_space<vmem>>
      %dma_wait3A_234 = tpu.memref_squeeze %dma_wait3A_233 : memref<1x640x32xf32, #tpu.memory_space<vmem>> -> memref<640x32xf32, #tpu.memory_space<vmem>>
      %dma_wait3A_235 = tpu.memref_slice %arg5[%mul3A_228] : memref<25600xi32, #tpu.memory_space<vmem>> -> memref<640xi32, #tpu.memory_space<vmem>>
      %dma_wait3A_236 = arith.constant 0 : i32
      %dma_wait3A_237 = arith.constant 0 : i32
      %dma_wait3A_238 = tpu.memref_slice %arg2[%dma_wait3A_236, %dma_wait3A_237] : memref<1000000x32xf32, #tpu.memory_space<hbm>> -> memref<1000000x32xf32, #tpu.memory_space<hbm>>
      %dma_wait3A_239 = tpu.memref_slice %arg7[%dma_wait3A_230] : memref<4x!tpu.dma_semaphore, #tpu.memory_space<semaphore_mem>> -> memref<1x!tpu.dma_semaphore, #tpu.memory_space<semaphore_mem>>
      %dma_wait3A_240 = tpu.memref_squeeze %dma_wait3A_239 : memref<1x!tpu.dma_semaphore, #tpu.memory_space<semaphore_mem>> -> memref<!tpu.dma_semaphore, #tpu.memory_space<semaphore_mem>>
      tpu.wait_indirect_dma semaphore(%dma_wait3A_240 : memref<!tpu.dma_semaphore, #tpu.memory_space<semaphore_mem>>) src(%dma_wait3A_238 : memref<1000000x32xf32, #tpu.memory_space<hbm>>) dst(%dma_wait3A_234 : memref<640x32xf32, #tpu.memory_space<vmem>>)
      %mul3A_241 = arith.constant 640 : i32
      %mul3A_242 = arith.muli %add3A_219, %mul3A_241 : i32
      %add3A_243 = arith.addi %mul3A_2, %mul3A_242 : i32
      %dma_start3A_244 = arith.constant 3 : i32
      %dma_start3A_245 = arith.constant 3 : i32
      %dma_start3A_246 = arith.constant 0 : i32
      %dma_start3A_247 = arith.constant 0 : i32
      %dma_start3A_248 = tpu.memref_slice %arg6[%dma_start3A_244, %dma_start3A_246, %dma_start3A_247] : memref<4x640x32xf32, #tpu.memory_space<vmem>> -> memref<1x640x32xf32, #tpu.memory_space<vmem>>
      %dma_start3A_249 = tpu.memref_squeeze %dma_start3A_248 : memref<1x640x32xf32, #tpu.memory_space<vmem>> -> memref<640x32xf32, #tpu.memory_space<vmem>>
      %dma_start3A_250 = arith.constant 0 : i32
      %dma_start3A_251 = tpu.memref_slice %arg4[%add3A_243, %dma_start3A_250] : memref<819200x32xf32, #tpu.memory_space<hbm>> -> memref<640x32xf32, #tpu.memory_space<hbm>>
      %dma_start3A_252 = tpu.memref_slice %arg8[%dma_start3A_245] : memref<4x!tpu.dma_semaphore, #tpu.memory_space<semaphore_mem>> -> memref<1x!tpu.dma_semaphore, #tpu.memory_space<semaphore_mem>>
      %dma_start3A_253 = tpu.memref_squeeze %dma_start3A_252 : memref<1x!tpu.dma_semaphore, #tpu.memory_space<semaphore_mem>> -> memref<!tpu.dma_semaphore, #tpu.memory_space<semaphore_mem>>
      %dma_start3A_254 = arith.constant 0 : i32
      %dma_start3A_255 = tpu.memref_slice %arg4[%add3A_243, %dma_start3A_254] : memref<819200x32xf32, #tpu.memory_space<hbm>> -> memref<640x32xf32, #tpu.memory_space<hbm>>
      %dma_start3A_256 = arith.constant 0 : i32
      %dma_start3A_257 = arith.constant 0 : i32
      %dma_start3A_258 = tpu.memref_slice %arg6[%dma_start3A_244, %dma_start3A_256, %dma_start3A_257] : memref<4x640x32xf32, #tpu.memory_space<vmem>> -> memref<1x640x32xf32, #tpu.memory_space<vmem>>
      %dma_start3A_259 = tpu.memref_squeeze %dma_start3A_258 : memref<1x640x32xf32, #tpu.memory_space<vmem>> -> memref<640x32xf32, #tpu.memory_space<vmem>>
      tpu.enqueue_dma source(%dma_start3A_259 : memref<640x32xf32, #tpu.memory_space<vmem>>) target(%dma_start3A_255 : memref<640x32xf32, #tpu.memory_space<hbm>>) target_semaphore(%dma_start3A_253 : memref<!tpu.dma_semaphore, #tpu.memory_space<semaphore_mem>>)
    }
    %scan3A_18 = arith.constant 10 : i32
    %add3A_19 = arith.constant 23040 : i32
    %add3A_20 = arith.addi %mul3A_2, %add3A_19 : i32
    %dma_wait3A = arith.constant 0 : i32
    %dma_wait3A_21 = arith.constant 0 : i32
    %dma_wait3A_22 = arith.constant 0 : i32
    %dma_wait3A_23 = arith.constant 0 : i32
    %dma_wait3A_24 = tpu.memref_slice %arg6[%dma_wait3A, %dma_wait3A_22, %dma_wait3A_23] : memref<4x640x32xf32, #tpu.memory_space<vmem>> -> memref<1x640x32xf32, #tpu.memory_space<vmem>>
    %dma_wait3A_25 = tpu.memref_squeeze %dma_wait3A_24 : memref<1x640x32xf32, #tpu.memory_space<vmem>> -> memref<640x32xf32, #tpu.memory_space<vmem>>
    %dma_wait3A_26 = arith.constant 0 : i32
    %dma_wait3A_27 = tpu.memref_slice %arg4[%add3A_20, %dma_wait3A_26] : memref<819200x32xf32, #tpu.memory_space<hbm>> -> memref<640x32xf32, #tpu.memory_space<hbm>>
    %dma_wait3A_28 = tpu.memref_slice %arg8[%dma_wait3A_21] : memref<4x!tpu.dma_semaphore, #tpu.memory_space<semaphore_mem>> -> memref<1x!tpu.dma_semaphore, #tpu.memory_space<semaphore_mem>>
    %dma_wait3A_29 = tpu.memref_squeeze %dma_wait3A_28 : memref<1x!tpu.dma_semaphore, #tpu.memory_space<semaphore_mem>> -> memref<!tpu.dma_semaphore, #tpu.memory_space<semaphore_mem>>
    %dma_wait3A_30 = arith.constant 0 : i32
    %dma_wait3A_31 = tpu.memref_slice %arg4[%add3A_20, %dma_wait3A_30] : memref<819200x32xf32, #tpu.memory_space<hbm>> -> memref<640x32xf32, #tpu.memory_space<hbm>>
    %dma_wait3A_32 = arith.constant 0 : i32
    %dma_wait3A_33 = arith.constant 0 : i32
    %dma_wait3A_34 = tpu.memref_slice %arg6[%dma_wait3A, %dma_wait3A_32, %dma_wait3A_33] : memref<4x640x32xf32, #tpu.memory_space<vmem>> -> memref<1x640x32xf32, #tpu.memory_space<vmem>>
    %dma_wait3A_35 = tpu.memref_squeeze %dma_wait3A_34 : memref<1x640x32xf32, #tpu.memory_space<vmem>> -> memref<640x32xf32, #tpu.memory_space<vmem>>
    tpu.wait_dma2 semaphore(%dma_wait3A_29 : memref<!tpu.dma_semaphore, #tpu.memory_space<semaphore_mem>>) src(%dma_wait3A_35 : memref<640x32xf32, #tpu.memory_space<vmem>>) dst(%dma_wait3A_31 : memref<640x32xf32, #tpu.memory_space<hbm>>)
    %add3A_36 = arith.constant 23680 : i32
    %add3A_37 = arith.addi %mul3A_2, %add3A_36 : i32
    %dma_wait3A_38 = arith.constant 1 : i32
    %dma_wait3A_39 = arith.constant 1 : i32
    %dma_wait3A_40 = arith.constant 0 : i32
    %dma_wait3A_41 = arith.constant 0 : i32
    %dma_wait3A_42 = tpu.memref_slice %arg6[%dma_wait3A_38, %dma_wait3A_40, %dma_wait3A_41] : memref<4x640x32xf32, #tpu.memory_space<vmem>> -> memref<1x640x32xf32, #tpu.memory_space<vmem>>
    %dma_wait3A_43 = tpu.memref_squeeze %dma_wait3A_42 : memref<1x640x32xf32, #tpu.memory_space<vmem>> -> memref<640x32xf32, #tpu.memory_space<vmem>>
    %dma_wait3A_44 = arith.constant 0 : i32
    %dma_wait3A_45 = tpu.memref_slice %arg4[%add3A_37, %dma_wait3A_44] : memref<819200x32xf32, #tpu.memory_space<hbm>> -> memref<640x32xf32, #tpu.memory_space<hbm>>
    %dma_wait3A_46 = tpu.memref_slice %arg8[%dma_wait3A_39] : memref<4x!tpu.dma_semaphore, #tpu.memory_space<semaphore_mem>> -> memref<1x!tpu.dma_semaphore, #tpu.memory_space<semaphore_mem>>
    %dma_wait3A_47 = tpu.memref_squeeze %dma_wait3A_46 : memref<1x!tpu.dma_semaphore, #tpu.memory_space<semaphore_mem>> -> memref<!tpu.dma_semaphore, #tpu.memory_space<semaphore_mem>>
    %dma_wait3A_48 = arith.constant 0 : i32
    %dma_wait3A_49 = tpu.memref_slice %arg4[%add3A_37, %dma_wait3A_48] : memref<819200x32xf32, #tpu.memory_space<hbm>> -> memref<640x32xf32, #tpu.memory_space<hbm>>
    %dma_wait3A_50 = arith.constant 0 : i32
    %dma_wait3A_51 = arith.constant 0 : i32
    %dma_wait3A_52 = tpu.memref_slice %arg6[%dma_wait3A_38, %dma_wait3A_50, %dma_wait3A_51] : memref<4x640x32xf32, #tpu.memory_space<vmem>> -> memref<1x640x32xf32, #tpu.memory_space<vmem>>
    %dma_wait3A_53 = tpu.memref_squeeze %dma_wait3A_52 : memref<1x640x32xf32, #tpu.memory_space<vmem>> -> memref<640x32xf32, #tpu.memory_space<vmem>>
    tpu.wait_dma2 semaphore(%dma_wait3A_47 : memref<!tpu.dma_semaphore, #tpu.memory_space<semaphore_mem>>) src(%dma_wait3A_53 : memref<640x32xf32, #tpu.memory_space<vmem>>) dst(%dma_wait3A_49 : memref<640x32xf32, #tpu.memory_space<hbm>>)
    %add3A_54 = arith.constant 24320 : i32
    %add3A_55 = arith.addi %mul3A_2, %add3A_54 : i32
    %dma_wait3A_56 = arith.constant 2 : i32
    %dma_wait3A_57 = arith.constant 2 : i32
    %dma_wait3A_58 = arith.constant 0 : i32
    %dma_wait3A_59 = arith.constant 0 : i32
    %dma_wait3A_60 = tpu.memref_slice %arg6[%dma_wait3A_56, %dma_wait3A_58, %dma_wait3A_59] : memref<4x640x32xf32, #tpu.memory_space<vmem>> -> memref<1x640x32xf32, #tpu.memory_space<vmem>>
    %dma_wait3A_61 = tpu.memref_squeeze %dma_wait3A_60 : memref<1x640x32xf32, #tpu.memory_space<vmem>> -> memref<640x32xf32, #tpu.memory_space<vmem>>
    %dma_wait3A_62 = arith.constant 0 : i32
    %dma_wait3A_63 = tpu.memref_slice %arg4[%add3A_55, %dma_wait3A_62] : memref<819200x32xf32, #tpu.memory_space<hbm>> -> memref<640x32xf32, #tpu.memory_space<hbm>>
    %dma_wait3A_64 = tpu.memref_slice %arg8[%dma_wait3A_57] : memref<4x!tpu.dma_semaphore, #tpu.memory_space<semaphore_mem>> -> memref<1x!tpu.dma_semaphore, #tpu.memory_space<semaphore_mem>>
    %dma_wait3A_65 = tpu.memref_squeeze %dma_wait3A_64 : memref<1x!tpu.dma_semaphore, #tpu.memory_space<semaphore_mem>> -> memref<!tpu.dma_semaphore, #tpu.memory_space<semaphore_mem>>
    %dma_wait3A_66 = arith.constant 0 : i32
    %dma_wait3A_67 = tpu.memref_slice %arg4[%add3A_55, %dma_wait3A_66] : memref<819200x32xf32, #tpu.memory_space<hbm>> -> memref<640x32xf32, #tpu.memory_space<hbm>>
    %dma_wait3A_68 = arith.constant 0 : i32
    %dma_wait3A_69 = arith.constant 0 : i32
    %dma_wait3A_70 = tpu.memref_slice %arg6[%dma_wait3A_56, %dma_wait3A_68, %dma_wait3A_69] : memref<4x640x32xf32, #tpu.memory_space<vmem>> -> memref<1x640x32xf32, #tpu.memory_space<vmem>>
    %dma_wait3A_71 = tpu.memref_squeeze %dma_wait3A_70 : memref<1x640x32xf32, #tpu.memory_space<vmem>> -> memref<640x32xf32, #tpu.memory_space<vmem>>
    tpu.wait_dma2 semaphore(%dma_wait3A_65 : memref<!tpu.dma_semaphore, #tpu.memory_space<semaphore_mem>>) src(%dma_wait3A_71 : memref<640x32xf32, #tpu.memory_space<vmem>>) dst(%dma_wait3A_67 : memref<640x32xf32, #tpu.memory_space<hbm>>)
    %add3A_72 = arith.constant 24960 : i32
    %add3A_73 = arith.addi %mul3A_2, %add3A_72 : i32
    %dma_wait3A_74 = arith.constant 3 : i32
    %dma_wait3A_75 = arith.constant 3 : i32
    %dma_wait3A_76 = arith.constant 0 : i32
    %dma_wait3A_77 = arith.constant 0 : i32
    %dma_wait3A_78 = tpu.memref_slice %arg6[%dma_wait3A_74, %dma_wait3A_76, %dma_wait3A_77] : memref<4x640x32xf32, #tpu.memory_space<vmem>> -> memref<1x640x32xf32, #tpu.memory_space<vmem>>
    %dma_wait3A_79 = tpu.memref_squeeze %dma_wait3A_78 : memref<1x640x32xf32, #tpu.memory_space<vmem>> -> memref<640x32xf32, #tpu.memory_space<vmem>>
    %dma_wait3A_80 = arith.constant 0 : i32
    %dma_wait3A_81 = tpu.memref_slice %arg4[%add3A_73, %dma_wait3A_80] : memref<819200x32xf32, #tpu.memory_space<hbm>> -> memref<640x32xf32, #tpu.memory_space<hbm>>
    %dma_wait3A_82 = tpu.memref_slice %arg8[%dma_wait3A_75] : memref<4x!tpu.dma_semaphore, #tpu.memory_space<semaphore_mem>> -> memref<1x!tpu.dma_semaphore, #tpu.memory_space<semaphore_mem>>
    %dma_wait3A_83 = tpu.memref_squeeze %dma_wait3A_82 : memref<1x!tpu.dma_semaphore, #tpu.memory_space<semaphore_mem>> -> memref<!tpu.dma_semaphore, #tpu.memory_space<semaphore_mem>>
    %dma_wait3A_84 = arith.constant 0 : i32
    %dma_wait3A_85 = tpu.memref_slice %arg4[%add3A_73, %dma_wait3A_84] : memref<819200x32xf32, #tpu.memory_space<hbm>> -> memref<640x32xf32, #tpu.memory_space<hbm>>
    %dma_wait3A_86 = arith.constant 0 : i32
    %dma_wait3A_87 = arith.constant 0 : i32
    %dma_wait3A_88 = tpu.memref_slice %arg6[%dma_wait3A_74, %dma_wait3A_86, %dma_wait3A_87] : memref<4x640x32xf32, #tpu.memory_space<vmem>> -> memref<1x640x32xf32, #tpu.memory_space<vmem>>
    %dma_wait3A_89 = tpu.memref_squeeze %dma_wait3A_88 : memref<1x640x32xf32, #tpu.memory_space<vmem>> -> memref<640x32xf32, #tpu.memory_space<vmem>>
    tpu.wait_dma2 semaphore(%dma_wait3A_83 : memref<!tpu.dma_semaphore, #tpu.memory_space<semaphore_mem>>) src(%dma_wait3A_89 : memref<640x32xf32, #tpu.memory_space<vmem>>) dst(%dma_wait3A_85 : memref<640x32xf32, #tpu.memory_space<hbm>>)
    return
  }
}

</mosaic_0001>

<sc_bundles>
// kernel: _gather_flat.3.cloned.1.call-start
scs
__scs_entry_jumppad:
0x0: {  	(pc) =	sbr.rel $0x88, $3  }
0x1: {  	(tag) =	ssettag $0x0;
	lr =	simm.s32 $0x1  }
0x2: {  	[smem:$0x3F9F] =	sst lr;
	_ =	strace $0xD0000000  }
0x3: {  	_ = 	snop  }
0x4: {  	_ = 	snop  }
0x5: {  	_ = 	snop  }
0x6: {  	_ = 	snop  }
0x7: {  	_ = 	snop  }
__scs_overlays_trampoline_lowered:
0x8: {  	[smem:$0x3FAE] =	sst s0  }
0x9: {  	[smem:$0x3FAF] =	sst s1  }
0xa: {  	[smem:$0x3FB0] =	sst s2  }
0xb: {  	[smem:$0x3FB1] =	sst s3  }
0xc: {  	[smem:$0x3FB2] =	sst s4  }
0xd: {  	[smem:$0x3FB3] =	sst s5  }
0xe: {  	[smem:$0x3FB4] =	sst s6  }
0xf: {  	[smem:$0x3FB5] =	sst s7  }
0x10: {  	[smem:$0x3FB6] =	sst s8  }
0x11: {  	[smem:$0x3FB7] =	sst s9;
	s0 =	simm.s32 @!p0 $0x0  }
0x12: {  	s1 =	sld [smem:$0x3F9D];
	s0 =	simm.s32 @p0 $0x1  }
0x13: {  	[smem:$0x3FB8] =	sst s0;
	s0 =	simm.s32 @!p1 $0x0  }
0x14: {  	s2 =	sld [smem:$0x3F9C];
	s0 =	simm.s32 @p1 $0x1  }
0x15: {  	[smem:$0x3FB9] =	sst s0;
	s0 =	simm.s32 @!p2 $0x0  }
0x16: {  	s3 =	sld [smem:$0x3FDB];
	s0 =	simm.s32 @p2 $0x1  }
0x17: {  	s4 =	simm.s32 $0x1BF5;
	[smem:$0x3FBB] =	sst s0  }
0x18: {  	s0 =	sld [smem:$0x3F9E];
	_ =	swait.ge [sflag:s4], $0x0  }
0x19: {  	s7 =	sld [smem:$0x3F9F]  }
0x1a: {  	s8 =	sadd.s32 $0xFFFFE003, lr  }
0x1b: {  	s9 =	sadd.s32 $0xFFFFFEF7, lr;
	s5 =	simm.s32 $0xFFFFFFFF;
	p2 =	slt.u32 s8, $0xFFFFF086  }
0x1c: {  	p1 =	slt.u32 s9, $0xF7A;
	s5 =	simm.s32 @!p2 $0x0  }
0x1d: {  	s5 =	simm.s32 @p1 $0x1;
	p0 =	seq.s32 s7, s2  }
0x1e: {  	s7 =	smul.u32 @!p0 $0xF7A, s2;
	p2 =	seq.s32 @!p0 s5, $0x0  }
0x1f: {  	s9 =	smul.u32 $0xF7A, s1;
	s8 =	simm.s32 @!p0 $0x1BF5;
	p2 =	por !p2, p0  }
0x20: {  	[sflag:s8] =	ssyncset.s32 @!p0 $0xFFFFF086;
	s6 =	sadd.s32 @!p0 s3, s7;
	s7 =	simm.s32 @!p0 $0x108  }
0x21: {  	s3 =	sadd.s32 s3, s9;
	s6 =	sadd.s32 @!p0 $0x88, s6;
	s7 =	simm.s32 @p2 $0x1082  }
0x22: {  	[simem:s7], [sflag:s8] =	dma.local @!p0 [hbm:s6], $0xF7A  }
0x23: {  	s9 =	sor.u32 $0xD0000000, s2;
	s6 =	simm.s32 $0x108;
	_ =	swait.ge @!p0 [sflag:s8], $0x0  }
0x24: {  	s3 =	sadd.s32 $0x88, s3;
	s6 =	simm.s32 @!p1 $0x1082;
	[sflag:s4] =	ssyncset.s32 $0xFFFFF086  }
0x25: {  	[simem:s6], [sflag:s4] =	dma.local [hbm:s3], $0xF7A  }
0x26: {  	[smem:$0x3F9F] =	sst s1;
	(tag) =	ssettag s2;
	_ =	strace s9  }
0x27: {  	s1 =	sld [smem:$0x3FAF]  }
0x28: {  	s2 =	sld [smem:$0x3FB0]  }
0x29: {  	s4 =	sld [smem:$0x3FB2]  }
0x2a: {  	p0 =	seq.s32 s5, $0x0;
	s5 =	sld [smem:$0x3FB3]  }
0x2b: {  	s6 =	sld [smem:$0x3FB4]  }
0x2c: {  	s7 =	sld [smem:$0x3FB5]  }
0x2d: {  	s3 =	simm.s32 $0x108;
	s8 =	sld [smem:$0x3FB6]  }
0x2e: {  	s3 =	simm.s32 @!p0 $0x1082;
	s9 =	sld [smem:$0x3FB7]  }
0x2f: {  	lr =	sadd.s32 s0, s3;
	s0 =	sld [smem:$0x3FAE]  }
0x30: {  	s3 =	sld [smem:$0x3FB1]  }
0x31: {  	[smem:$0x3FBA] =	sst s10  }
0x32: {  	s10 =	sld [smem:$0x3FB8];
	_ =	sdelay $0x3  }
0x33: {  	p0 =	seq.s32 s10, $0x1;
	s10 =	sld [smem:$0x3FBA];
	_ =	sdelay $0x3  }
0x34: {  	[smem:$0x3FBA] =	sst s10  }
0x35: {  	s10 =	sld [smem:$0x3FB9];
	_ =	sdelay $0x3  }
0x36: {  	p1 =	seq.s32 s10, $0x1;
	s10 =	sld [smem:$0x3FBA];
	_ =	sdelay $0x3  }
0x37: {  	[smem:$0x3FBA] =	sst s10  }
0x38: {  	s10 =	sld [smem:$0x3FBB]  }
0x39: {  	_ = 	snop;
	(pc) =	sbr.ind lr, $3  }
0x3a: {  	_ = 	snop  }
0x3b: {  	_ = 	snop  }
0x3c: {  	p2 =	seq.s32 s10, $0x1;
	s10 =	sld [smem:$0x3FBA]  }
0x3d: {  	_ =	shalt  }
0x3e: {  	_ =	shalt  }
0x3f: {  	_ =	shalt  }
0x40: {  	_ =	shalt  }
0x41: {  	_ =	shalt  }
0x42: {  	_ =	shalt  }
0x43: {  	_ =	shalt  }
0x44: {  	_ =	shalt  }
0x45: {  	_ =	shalt  }
0x46: {  	_ =	shalt  }
0x47: {  	_ =	shalt  }
0x48: {  	_ =	shalt  }
0x49: {  	_ =	shalt  }
0x4a: {  	_ =	shalt  }
0x4b: {  	_ =	shalt  }
0x4c: {  	_ =	shalt  }
0x4d: {  	_ =	shalt  }
0x4e: {  	_ =	shalt  }
0x4f: {  	_ =	shalt  }
0x50: {  	_ =	shalt  }
0x51: {  	_ =	shalt  }
0x52: {  	_ =	shalt  }
0x53: {  	_ =	shalt  }
0x54: {  	_ =	shalt  }
0x55: {  	_ =	shalt  }
0x56: {  	_ =	shalt  }
0x57: {  	_ =	shalt  }
0x58: {  	_ =	shalt  }
0x59: {  	_ =	shalt  }
0x5a: {  	_ =	shalt  }
0x5b: {  	_ =	shalt  }
0x5c: {  	_ =	shalt  }
0x5d: {  	_ =	shalt  }
0x5e: {  	_ =	shalt  }
0x5f: {  	_ =	shalt  }
0x60: {  	_ =	shalt  }
0x61: {  	_ =	shalt  }
0x62: {  	_ =	shalt  }
0x63: {  	_ =	shalt  }
0x64: {  	_ =	shalt  }
0x65: {  	_ =	shalt  }
0x66: {  	_ =	shalt  }
0x67: {  	_ =	shalt  }
0x68: {  	_ =	shalt  }
0x69: {  	_ =	shalt  }
0x6a: {  	_ =	shalt  }
0x6b: {  	_ =	shalt  }
0x6c: {  	_ =	shalt  }
0x6d: {  	_ =	shalt  }
0x6e: {  	_ =	shalt  }
0x6f: {  	_ =	shalt  }
0x70: {  	_ =	shalt  }
0x71: {  	_ =	shalt  }
0x72: {  	_ =	shalt  }
0x73: {  	_ =	shalt  }
0x74: {  	_ =	shalt  }
0x75: {  	_ =	shalt  }
0x76: {  	_ =	shalt  }
0x77: {  	_ =	shalt  }
0x78: {  	_ =	shalt  }
0x79: {  	_ =	shalt  }
0x7a: {  	_ =	shalt  }
0x7b: {  	_ =	shalt  }
0x7c: {  	_ =	shalt  }
0x7d: {  	_ =	shalt  }
0x7e: {  	_ =	shalt  }
0x7f: {  	_ =	shalt  }
0x80: {  	_ =	shalt  }
0x81: {  	_ =	shalt  }
0x82: {  	_ =	shalt  }
0x83: {  	_ =	shalt  }
0x84: {  	_ =	shalt  }
0x85: {  	_ =	shalt  }
0x86: {  	_ =	shalt  }
0x87: {  	_ =	shalt  }
.Lfunc_end0:
.L_simem_size_0:
called_computation.1_lowered:
.L_overlay_start_0:
0x88: {  	s2 =	sld [smem:$0x3FD9]  }
0x89: {  	s3 =	sld [smem:$0x3FFE];
	_ =	sdelay $0x1  }
0x8a: {  	s1 =	srdreg.scid  }
0x8b: {  	s0 =	sand.u32 $0x1, s1  }
0x8c: {  	s17 =	sshll.u32 s0, $0xA;
	s2 =	sadd.s32 s3, s2  }
0x8d: {  	s2 =	sadd.s32 s2, s17  }
0x8e: {  	[smem:$0x3FC6] =	sst s2  }
0x8f: {  	_ = 	snop  }
0x90: {  	s2 =	sld [smem:$0x3FC9]  }
0x91: {  	s18 =	sld [smem:$0x3FD0];
	(tm) =	ssettm $0x1  }
0x92: {  	s4 =	sld [smem:$0x3FFB];
	_ =	sdelay $0x3  }
0x93: {  	_ =	strace s4  }
0x94: {  	s4 =	sld [smem:$0x3FFC];
	_ =	sdelay $0x3  }
0x95: {  	_ =	strace s4  }
0x96: {  	s4 =	sld [smem:$0x3FFD];
	_ =	sdelay $0x3  }
0x97: {  	_ =	strace s4  }
0x98: {  	_ =	strace $0x8FFFFFFF  }
0x99: {  	s19 =	sld [smem:$0x3FDB];
	_ =	sdelay $0x1  }
0x9a: {  	s5 =	simm.s32 $_scs_section_size  }
0x9b: {  	s6 =	simm.s32 $_size__tile_overlayer_lowered;
	s7 =	simm.s32 $_tile_overlayer_lowered  }
0x9c: {  	s22 =	simm.s32 $0x1BFF;
	s21 =	sshll.u32 s7, $0x1;
	s4 =	sadd.s32 s5, s19  }
0x9d: {  	s8 =	simm.s32 $0x0;
	s20 =	sshll.u32 s6, $0x1;
	s6 =	sadd.s32 s21, s4  }
0x9e: {  	[timem:s8], [sflag:s22] =	dma.local [hbm:s6], s20  }
0x9f: {  	_ =	swait.ge [sflag:s22], s20  }
0xa0: {  	s5 =	ssub.s32 $0x0, s20;
	[sflag:s22] =	ssyncset.done $0x0  }
0xa1: {  	[sflag:s22] =	ssyncadd.s32 s5;
	_ =	sdelay $0x1  }
0xa2: {  	s23 =	simm.s32 $0x1B8B  }
0xa3: {  	_ =	swait.ge [sflag:s23], $0x1  }
0xa4: {  	[sflag:s23] =	ssyncset.done $0x0  }
0xa5: {  	s25 =	simm.s32 $0x1B8E;
	s24 =	sld [smem:$0x3FFE];
	[sflag:s23] =	ssyncadd.s32 $0xFFFFFFFF  }
0xa6: {  	s26 =	simm.s32 $execute0_lowered;
	[smem:$0x3FD2] =	sst s25  }
0xa7: {  	s6 =	sshll.u32 s26, $0x1;
	_ =	strace $0x80000046;
	[dreg:$0x1] =	wrdreg $0xFFFFFFFF  }
0xa8: {  	s28 =	simm.s32 $_size_execute0_lowered;
	s4 =	sadd.s32 s4, s6;
	[dreg:$0x0] =	wrdreg $0x0  }
0xa9: {  	s6 =	sshll.u32 s28, $0x1;
	[dreg:$0x2] =	wrdreg s4  }
0xaa: {  	[dreg:$0x3] =	wrdreg s6  }
0xab: {  	[dreg:$0x4] =	wrdreg $0xC0  }
0xac: {  	_ =	task [dreg:s8], $0x5FFFF  }
0xad: {  	[dreg:$0x1] =	wrdreg $0xFFFFFFFF  }
0xae: {  	[dreg:$0x0] =	wrdreg $0x60  }
0xaf: {  	[dreg:$0x2] =	wrdreg s24  }
0xb0: {  	[dreg:$0x3] =	wrdreg s2  }
0xb1: {  	[dreg:$0x4] =	wrdreg s18  }
0xb2: {  	[dreg:$0x5] =	wrdreg $0x9  }
0xb3: {  	_ =	task.clear_ibuf [dreg:s8], $0x6FFFF;
	_ =	strace $0x90000046  }
0xb4: {  	s29 =	simm.s32 $0x9;
	_ =	strace $0x80000048  }
0xb5: {  	_ =	swait.ge [sflag:s29], $0x1  }
0xb6: {  	[sflag:s29] =	ssyncadd.s32 $0xFFFFFFFF  }
0xb7: {  	_ =	strace $0x90000048  }
0xb8: {  	_ =	sfence  }
0xb9: {  	s30 =	sld [smem:$0x0];
	_ =	sdelay $0x2  }
0xba: {  	s31 =	sshll.u32 s1, $0xD;
	s1 =	sshrl.u32 s1, $0x2  }
0xbb: {  	s3 =	sand.u32 $0x4000, s31;
	s1 =	sadd.s32 s1, s30  }
0xbc: {  	s0 =	sor.u32 s3, s0;
	s1 =	sshll.u32 s1, $0x11  }
0xbd: {  	s0 =	sor.u32 s1, s0  }
0xbe: {  	s0 =	sadd.s32 $0x8F2B, s0  }
0xbf: {  	[sflag:s0] =	ssyncadd.remote.s32 $0x1  }
0xc0: {  	_ =	sfence.sel $0xFFFF  }
0xc1: {  	[dreg:$0x0] =	wrdreg $0xFFFFFFFF;
	(pc) =	sbr.abs _section_cstart, $3  }
0xc2: {  	[dreg:$0x1] =	wrdreg $0xFFFFFFFF  }
0xc3: {  	_ =	task.clear_ibuf [dreg:s8], $0x2FFFF;
	_ =	strace $0x9FFFFFFF  }
0xc4: {  	(tm) =	ssettm $0x7FFFFFFF  }
0xc5: {  	_ =	shalt  }
tec
execute0_lowered:
.L_overlay_start_1:
0x0: {  	(tag) =	ssettag $0x1  }
0x1: {  	s3 =	rddreg [dreg:$0x0]  }
0x2: {  	s1 =	srdreg.scid;
	s4 =	rddreg [dreg:$0x1]  }
0x3: {  	s0 =	stileid.u32;
	s7 =	rddreg [dreg:$0x2]  }
0x4: {  	s2 =	simm.s32 $0x0;
	s13 =	simm.s32 $0xB400;
	s14 =	simm.s32 $0x1  }
0x5: {  	s15 =	simm.s32 $0x10400;
	s16 =	simm.s32 $0x2;
	s17 =	simm.s32 $0x15400  }
0x6: {  	s18 =	simm.s32 $0x3;
	s19 =	simm.s32 $0x4;
	s20 =	simm.s32 $0x5  }
0x7: {  	s21 =	simm.s32 $0x6;
	s22 =	simm.s32 $0x7;
	s23 =	simm.s32 $0x8  }
0x8: {  	s24 =	simm.s32 $0x0;
	s5 =	sand.u32 $0x1, s1;
	s9 =	smul.u32 $0xC800, s0  }
0x9: {  	s26 =	sshll.u32 s0, $0x1;
	[smem:$0x7FF] =	sst s2;
	s28 =	smul.u32 $0x32000, s0  }
0xa: {  	s3 =	sadd.s32 $0xF42C00, s3;
	s6 =	sor.u32 s5, s26;
	s11 =	smul.u32 $0x6400, s5  }
0xb: {  	s8 =	ssub.s32 $0x2, s5;
	_ =	strace $0x80000047;
	s12 =	smul.u32 $0x19000, s5  }
0xc: {  	s6 =	smul.u32 $0x6400, s6;
	s10 =	sshrl.u32 s8, $0x1;
	s31 =	sadd.s32 s28, s7  }
0xd: {  	s8 =	ssub.s32 s8, s10;
	s29 =	sadd.s32 s11, s9;
	s10 =	simm.s32 $0x9  }
0xe: {  	s11 =	simm.s32 $0x280;
	s6 =	sshrl.u32 s6, $0x3;
	s9 =	sshll.u32 s29, $0x2  }
0xf: {  	s5 =	smax.u32 s8, $0x1;
	s30 =	sadd.s32 s4, s6;
	s6 =	sadd.s32 s12, s31  }
0x10: {  	s9 =	sadd.s32 s9, s7;
	s12 =	simm.s32 $0x6400;
	[dreg:$0x4] =	wrdreg s30  }
0x11: {  	s7 =	sadd.s32 $0x1E00, s9;
	s8 =	sadd.s32 $0x1400, s9;
	s9 =	sadd.s32 $0xA00, s9  }
.LBB2_1:
0x12: {  	s0 =	rddreg [dreg:$0x4]  }
0x13: {  	[tilespmem:s2], [sflag:$0x9] =	stream.linear.gather [hbm4b:s0+s2], $0x6400, $0x38;
	[tilespmem:$0x1A400] =	vst v63  }
0x14: {  	_ =	swait.ge [sflag:s10], $0x6400  }
0x15: {  	p0 =	por $0x1, $0x1;
	[sflag:s10] =	ssyncset.done $0x0  }
0x16: {  	s25 =	simm.s32 @!p0 $0x6;
	[sflag:s10] =	ssyncadd.s32 $0xFFFF9C00  }
0x17: {  	[tilespmem:s12], [sflag:$0x1] =	stream.indirect.gather [hbm4b:s3+s11], $0x20, s2, s11, $0xb8;
	[tilespmem:$0x1A400] =	vst v63  }
0x18: {  	_ =	swait.ge @!p0 [sflag:s25], $0x5000  }
0x19: {  	[sflag:s25] =	ssyncset.done @!p0 $0x0  }
0x1a: {  	s26 =	simm.s32 $0x280;
	[sflag:s25] =	ssyncadd.s32 @!p0 $0xFFFFB000  }
0x1b: {  	[tilespmem:s13], [sflag:$0x2] =	stream.indirect.gather [hbm4b:s3+s11], $0x20, s26, s11, $0xb8;
	[tilespmem:$0x1A400] =	vst v63  }
0x1c: {  	_ =	swait.ge [sflag:s14], $0x5000  }
0x1d: {  	[sflag:s14] =	ssyncset.done $0x0  }
0x1e: {  	s0 =	sadd.s32 $0x0, s6;
	s26 =	simm.s32 @!p0 $0x7;
	[sflag:s14] =	ssyncadd.s32 $0xFFFFB000  }
0x1f: {  	[hbm4b:s0+s2] =	stream.linear.scatter [tilespmem:s12], [sflag:$0x5], $0x5000, $0x38;
	[tilespmem:$0x1A400] =	vst v63  }
0x20: {  	_ =	swait.ge @!p0 [sflag:s26], $0x5000  }
0x21: {  	[sflag:s26] =	ssyncset.done @!p0 $0x0  }
0x22: {  	s1 =	simm.s32 $0x500;
	[sflag:s26] =	ssyncadd.s32 @!p0 $0xFFFFB000  }
0x23: {  	[tilespmem:s15], [sflag:$0x3] =	stream.indirect.gather [hbm4b:s3+s11], $0x20, s1, s11, $0xb8;
	[tilespmem:$0x1A400] =	vst v63  }
0x24: {  	_ =	swait.ge [sflag:s16], $0x5000  }
0x25: {  	[sflag:s16] =	ssyncset.done $0x0  }
0x26: {  	s4 =	sadd.s32 $0x0, s9;
	s26 =	simm.s32 @!p0 $0x8;
	[sflag:s16] =	ssyncadd.s32 $0xFFFFB000  }
0x27: {  	[hbm4b:s4+s2] =	stream.linear.scatter [tilespmem:s13], [sflag:$0x6], $0x5000, $0x38;
	[tilespmem:$0x1A400] =	vst v63  }
0x28: {  	_ =	swait.ge @!p0 [sflag:s26], $0x5000  }
0x29: {  	[sflag:s26] =	ssyncset.done @!p0 $0x0  }
0x2a: {  	s30 =	simm.s32 $0x780;
	[sflag:s26] =	ssyncadd.s32 @!p0 $0xFFFFB000  }
0x2b: {  	[tilespmem:s17], [sflag:$0x4] =	stream.indirect.gather [hbm4b:s3+s11], $0x20, s30, s11, $0xb8;
	[tilespmem:$0x1A400] =	vst v63  }
0x2c: {  	_ =	swait.ge [sflag:s18], $0x5000  }
0x2d: {  	p0 =	por $0x0, $0x0;
	[sflag:s18] =	ssyncset.done $0x0  }
0x2e: {  	s31 =	sadd.s32 $0x0, s8;
	s26 =	simm.s32 @!p0 $0x5;
	[sflag:s18] =	ssyncadd.s32 $0xFFFFB000  }
0x2f: {  	[hbm4b:s31+s2] =	stream.linear.scatter [tilespmem:s15], [sflag:$0x7], $0x5000, $0x38;
	[tilespmem:$0x1A400] =	vst v63  }
0x30: {  	_ =	swait.ge @!p0 [sflag:s26], $0x5000  }
0x31: {  	s25 =	simm.s32 @!p0 $0xA00;
	[sflag:s26] =	ssyncset.done @!p0 $0x0  }
0x32: {  	s28 =	simm.s32 @!p0 $0x280;
	s29 =	simm.s32 @!p0 $0x6400;
	[sflag:s26] =	ssyncadd.s32 @!p0 $0xFFFFB000  }
0x33: {  	[tilespmem:s29], [sflag:$0x1] =	stream.indirect.gather @!p0 [hbm4b:s3+s28], $0x20, s25, s28, $0xb8;
	[tilespmem:$0x1A400] =	vst v63  }
0x34: {  	s26 =	simm.s32 $0x2800;
	s28 =	sadd.s32 $0x0, s7;
	s29 =	simm.s32 $0x5000  }
0x35: {  	s25 =	sadd.s32 $0x2800, s7;
	p0 =	por $0x0, $0x0;
	_ =	swait.ge [sflag:s19], $0x5000  }
.LBB2_2:
0x36: {  	s31 =	simm.s32 @!p0 $0x6  }
0x37: {  	[sflag:s19] =	ssyncset.done $0x0;
	s30 =	smov.u32 s29;
	s29 =	sadd.s32 $0x2800, s29  }
0x38: {  	s1 =	sadd.s32 s30, s7;
	p1 =	sne.s32 s29, $0x19000;
	[sflag:s19] =	ssyncadd.s32 $0xFFFFB000  }
0x39: {  	[hbm4b:s28+s2] =	stream.linear.scatter [tilespmem:s17], [sflag:$0x8], $0x5000, $0x38;
	[tilespmem:$0x1A400] =	vst v63  }
0x3a: {  	s0 =	sshra.s32 s26, $0x2;
	s28 =	smov.u32 s25;
	_ =	swait.ge @!p0 [sflag:s31], $0x5000  }
0x3b: {  	s4 =	sadd.s32 $0x280, s0;
	s25 =	smov.u32 s1;
	[sflag:s31] =	ssyncset.done @!p0 $0x0  }
0x3c: {  	[sflag:s31] =	ssyncadd.s32 @!p0 $0xFFFFB000  }
0x3d: {  	[tilespmem:s13], [sflag:$0x2] =	stream.indirect.gather [hbm4b:s3+s11], $0x20, s4, s11, $0xb8;
	[tilespmem:$0x1A400] =	vst v63  }
0x3e: {  	_ =	swait.ge [sflag:s14], $0x5000  }
0x3f: {  	s1 =	sadd.s32 s26, s6;
	s4 =	simm.s32 @!p0 $0x7;
	[sflag:s14] =	ssyncset.done $0x0  }
0x40: {  	[sflag:s14] =	ssyncadd.s32 $0xFFFFB000  }
0x41: {  	[hbm4b:s1+s2] =	stream.linear.scatter [tilespmem:s12], [sflag:$0x5], $0x5000, $0x38;
	[tilespmem:$0x1A400] =	vst v63  }
0x42: {  	_ =	swait.ge @!p0 [sflag:s4], $0x5000  }
0x43: {  	s1 =	sadd.s32 $0x500, s0;
	[sflag:s4] =	ssyncset.done @!p0 $0x0  }
0x44: {  	[sflag:s4] =	ssyncadd.s32 @!p0 $0xFFFFB000  }
0x45: {  	[tilespmem:s15], [sflag:$0x3] =	stream.indirect.gather [hbm4b:s3+s11], $0x20, s1, s11, $0xb8;
	[tilespmem:$0x1A400] =	vst v63  }
0x46: {  	_ =	swait.ge [sflag:s16], $0x5000  }
0x47: {  	s4 =	simm.s32 @!p0 $0x8;
	s1 =	sadd.s32 s26, s9;
	[sflag:s16] =	ssyncset.done $0x0  }
0x48: {  	[sflag:s16] =	ssyncadd.s32 $0xFFFFB000  }
0x49: {  	[hbm4b:s1+s2] =	stream.linear.scatter [tilespmem:s13], [sflag:$0x6], $0x5000, $0x38;
	[tilespmem:$0x1A400] =	vst v63  }
0x4a: {  	_ =	swait.ge @!p0 [sflag:s4], $0x5000  }
0x4b: {  	s0 =	sadd.s32 $0x780, s0;
	[sflag:s4] =	ssyncset.done @!p0 $0x0  }
0x4c: {  	[sflag:s4] =	ssyncadd.s32 @!p0 $0xFFFFB000  }
0x4d: {  	[tilespmem:s17], [sflag:$0x4] =	stream.indirect.gather [hbm4b:s3+s11], $0x20, s0, s11, $0xb8;
	[tilespmem:$0x1A400] =	vst v63  }
0x4e: {  	_ =	swait.ge [sflag:s18], $0x5000  }
0x4f: {  	p0 =	seq.s32 s26, $0x16800;
	s0 =	sadd.s32 s26, s8;
	[sflag:s18] =	ssyncset.done $0x0  }
0x50: {  	s1 =	simm.s32 @!p0 $0x5;
	s4 =	sshra.s32 @!p0 s26, $0x2;
	[sflag:s18] =	ssyncadd.s32 $0xFFFFB000  }
0x51: {  	[hbm4b:s0+s2] =	stream.linear.scatter [tilespmem:s15], [sflag:$0x7], $0x5000, $0x38;
	[tilespmem:$0x1A400] =	vst v63  }
.Ltmp0:
0x52: {  	s0 =	sadd.s32 @!p0 $0xA00, s4;
	_ =	swait.ge @!p0 [sflag:s1], $0x5000;
	(pc) =	sbr.rel @p1 .LBB2_2-.Ltmp0, $4  }
0x53: {  	s31 =	simm.s32 @!p0 $0x6400;
	s4 =	simm.s32 @!p0 $0x280;
	[sflag:s1] =	ssyncset.done @!p0 $0x0  }
0x54: {  	s26 =	smov.u32 s30;
	[sflag:s1] =	ssyncadd.s32 @!p0 $0xFFFFB000  }
0x55: {  	[tilespmem:s31], [sflag:$0x1] =	stream.indirect.gather @!p0 [hbm4b:s3+s4], $0x20, s0, s4, $0xb8;
	[tilespmem:$0x1A400] =	vst v63  }
0x56: {  	p0 =	seq.s32 s26, $0x0;
	_ =	swait.ge [sflag:s19], $0x5000  }
0x57: {  	[sflag:s19] =	ssyncset.done $0x0  }
0x58: {  	s0 =	simm.s32 @!p0 $0x6;
	[sflag:s19] =	ssyncadd.s32 $0xFFFFB000  }
0x59: {  	[hbm4b:s28+s2] =	stream.linear.scatter [tilespmem:s17], [sflag:$0x8], $0x5000, $0x38;
	[tilespmem:$0x1A400] =	vst v63  }
0x5a: {  	_ =	swait.ge @!p0 [sflag:s0], $0x5000  }
0x5b: {  	s1 =	sshra.s32 s26, $0x2;
	[sflag:s0] =	ssyncset.done @!p0 $0x0  }
0x5c: {  	s4 =	sadd.s32 $0x280, s1;
	[sflag:s0] =	ssyncadd.s32 @!p0 $0xFFFFB000  }
0x5d: {  	[tilespmem:s13], [sflag:$0x2] =	stream.indirect.gather [hbm4b:s3+s11], $0x20, s4, s11, $0xb8;
	[tilespmem:$0x1A400] =	vst v63  }
0x5e: {  	_ =	swait.ge [sflag:s14], $0x5000  }
0x5f: {  	[sflag:s14] =	ssyncset.done $0x0  }
0x60: {  	s31 =	sadd.s32 s26, s6;
	s4 =	simm.s32 @!p0 $0x7;
	[sflag:s14] =	ssyncadd.s32 $0xFFFFB000  }
0x61: {  	[hbm4b:s31+s2] =	stream.linear.scatter [tilespmem:s12], [sflag:$0x5], $0x5000, $0x38;
	[tilespmem:$0x1A400] =	vst v63  }
0x62: {  	_ =	swait.ge @!p0 [sflag:s4], $0x5000  }
0x63: {  	[sflag:s4] =	ssyncset.done @!p0 $0x0  }
0x64: {  	s28 =	sadd.s32 $0x500, s1;
	[sflag:s4] =	ssyncadd.s32 @!p0 $0xFFFFB000  }
0x65: {  	[tilespmem:s15], [sflag:$0x3] =	stream.indirect.gather [hbm4b:s3+s11], $0x20, s28, s11, $0xb8;
	[tilespmem:$0x1A400] =	vst v63  }
0x66: {  	_ =	swait.ge [sflag:s16], $0x5000  }
0x67: {  	[sflag:s16] =	ssyncset.done $0x0  }
0x68: {  	s29 =	sadd.s32 s26, s9;
	s4 =	simm.s32 @!p0 $0x8;
	[sflag:s16] =	ssyncadd.s32 $0xFFFFB000  }
0x69: {  	[hbm4b:s29+s2] =	stream.linear.scatter [tilespmem:s13], [sflag:$0x6], $0x5000, $0x38;
	[tilespmem:$0x1A400] =	vst v63  }
0x6a: {  	_ =	swait.ge @!p0 [sflag:s4], $0x5000  }
0x6b: {  	[sflag:s4] =	ssyncset.done @!p0 $0x0  }
0x6c: {  	s30 =	sadd.s32 $0x780, s1;
	[sflag:s4] =	ssyncadd.s32 @!p0 $0xFFFFB000  }
0x6d: {  	[tilespmem:s17], [sflag:$0x4] =	stream.indirect.gather [hbm4b:s3+s11], $0x20, s30, s11, $0xb8;
	[tilespmem:$0x1A400] =	vst v63  }
0x6e: {  	_ =	swait.ge [sflag:s18], $0x5000  }
0x6f: {  	p0 =	seq.s32 s26, $0x16800;
	[sflag:s18] =	ssyncset.done $0x0  }
0x70: {  	s31 =	sadd.s32 s26, s8;
	s1 =	simm.s32 @!p0 $0x5;
	[sflag:s18] =	ssyncadd.s32 $0xFFFFB000  }
0x71: {  	[hbm4b:s31+s2] =	stream.linear.scatter [tilespmem:s15], [sflag:$0x7], $0x5000, $0x38;
	[tilespmem:$0x1A400] =	vst v63  }
0x72: {  	_ =	swait.ge @!p0 [sflag:s1], $0x5000  }
0x73: {  	s0 =	sshra.s32 @!p0 s26, $0x2;
	s4 =	simm.s32 @!p0 $0x280;
	[sflag:s1] =	ssyncset.done @!p0 $0x0  }
0x74: {  	s26 =	simm.s32 @!p0 $0x6400;
	s0 =	sadd.s32 @!p0 $0xA00, s0;
	[sflag:s1] =	ssyncadd.s32 @!p0 $0xFFFFB000  }
0x75: {  	[tilespmem:s26], [sflag:$0x1] =	stream.indirect.gather @!p0 [hbm4b:s3+s4], $0x20, s0, s4, $0xb8;
	[tilespmem:$0x1A400] =	vst v63  }
0x76: {  	_ =	swait.ge [sflag:s19], $0x5000  }
0x77: {  	[sflag:s19] =	ssyncset.done $0x0  }
0x78: {  	[sflag:s19] =	ssyncadd.s32 $0xFFFFB000  }
0x79: {  	[hbm4b:s25+s2] =	stream.linear.scatter [tilespmem:s17], [sflag:$0x8], $0x5000, $0x38;
	[tilespmem:$0x1A400] =	vst v63  }
0x7a: {  	_ =	swait.ge [sflag:s20], $0x5000  }
0x7b: {  	[sflag:s20] =	ssyncset.done $0x0  }
0x7c: {  	[sflag:s20] =	ssyncadd.s32 $0xFFFFB000  }
0x7d: {  	_ =	swait.ge [sflag:s21], $0x5000  }
0x7e: {  	[sflag:s21] =	ssyncset.done $0x0  }
0x7f: {  	s24 =	sadd.s32 $0x1, s24;
	[sflag:s21] =	ssyncadd.s32 $0xFFFFB000  }
0x80: {  	p0 =	sne.s32 s24, s5;
	_ =	swait.ge [sflag:s22], $0x5000  }
.Ltmp1:
0x81: {  	[sflag:s22] =	ssyncset.done $0x0;
	(pc) =	sbr.rel @p0 .LBB2_1-.Ltmp1, $4  }
0x82: {  	[sflag:s22] =	ssyncadd.s32 $0xFFFFB000  }
0x83: {  	_ =	swait.ge [sflag:s23], $0x5000  }
0x84: {  	[sflag:s23] =	ssyncset.done $0x0  }
0x85: {  	[sflag:s23] =	ssyncadd.s32 $0xFFFFB000  }
0x86: {  	_ =	sfence.sel $0x180000  }
0x87: {  	[bflag:$0x0] =	sbarrier.arrive $0xFFFF  }
0x88: {  	_ =	strace $0x90000047  }
0x89: {  	s0 =	stileid.u32;
	[bflag:$0x2] =	sbarrier.arrive $0xFFFF  }
0x8a: {  	p0 =	sne.s32 s0, $0x0;
	s0 =	rddreg [dreg:$0x3]  }
0x8b: {  	s0 =	sadd.s32 @!p0 $0x100000, s0  }
0x8c: {  	[sflag:s0] =	ssyncadd.tile.s32 @!p0 $0x1;
	_ =	shalt  }
.Lfunc_end2:
_tile_overlayer_lowered:
.L_overlay_start_2:
0x8d: {  	(tag) =	ssettag $0x2  }
0x8e: {  	s0 =	rddreg [dreg:$0x0];
	s2 =	stileid.u32  }
0x8f: {  	s1 =	rddreg [dreg:$0x1];
	p0 =	sne.s32 s2, $0x0  }
0x90: {  	s3 =	rddreg [dreg:$0x2];
	[bflag:$0x3] =	sbarrier.arrive $0xFFFF;
	s2 =	simm.s32 @!p0 $0x1C09  }
0x91: {  	[timem:s3], [sflag:s2] =	dma.local @!p0 [hbm:s0], s1  }
0x92: {  	s0 =	simm.s32 @!p0 $0x9  }
0x93: {  	_ =	swait.ge @!p0 [sflag:s0], s1  }
0x94: {  	s1 =	ssub.s32 @!p0 $0x0, s1;
	[sflag:s0] =	ssyncset.done @!p0 $0x0  }
0x95: {  	[sflag:s0] =	ssyncadd.s32 @!p0 s1  }
0x96: {  	[bflag:$0x3] =	sbarrier.arrive $0xFFFF  }
0x97: {  	_ =	shalt  }

// kernel: sparse-core-data-format-call.cloned.1.call-start
scs
called_computation_lowered:
.L_overlay_start_0:
0x0: {  	s2 =	sld [smem:$0x3FD9]  }
0x1: {  	s3 =	sld [smem:$0x3FFE];
	_ =	sdelay $0x1  }
0x2: {  	s1 =	srdreg.scid  }
0x3: {  	s0 =	sand.u32 $0x1, s1  }
0x4: {  	s18 =	sshll.u32 s0, $0xA;
	s2 =	sadd.s32 s3, s2  }
0x5: {  	s2 =	sadd.s32 s2, s18  }
0x6: {  	[smem:$0x3FC6] =	sst s2  }
0x7: {  	_ = 	snop  }
0x8: {  	s2 =	sld [smem:$0x3FD0];
	(tm) =	ssettm $0x1  }
0x9: {  	s19 =	sld [smem:$0x3FFB];
	_ =	sdelay $0x3  }
0xa: {  	_ =	strace s19  }
0xb: {  	s3 =	sld [smem:$0x3FFC];
	_ =	sdelay $0x3  }
0xc: {  	_ =	strace s3  }
0xd: {  	s3 =	sld [smem:$0x3FFD];
	_ =	sdelay $0x3  }
0xe: {  	_ =	strace s3  }
0xf: {  	_ =	strace $0x8FFFFFFF  }
0x10: {  	s20 =	sld [smem:$0x3FDB];
	_ =	sdelay $0x1  }
0x11: {  	s4 =	simm.s32 $_scs_section_size  }
0x12: {  	s5 =	simm.s32 $_size__tile_overlayer_lowered;
	s6 =	simm.s32 $_tile_overlayer_lowered  }
0x13: {  	s23 =	simm.s32 $0x1BFF;
	s22 =	sshll.u32 s6, $0x1;
	s3 =	sadd.s32 s4, s20  }
0x14: {  	s7 =	simm.s32 $0x0;
	s21 =	sshll.u32 s5, $0x1;
	s5 =	sadd.s32 s22, s3  }
0x15: {  	[timem:s7], [sflag:s23] =	dma.local [hbm:s5], s21  }
0x16: {  	_ =	swait.ge [sflag:s23], s21  }
0x17: {  	s4 =	ssub.s32 $0x0, s21;
	[sflag:s23] =	ssyncset.done $0x0  }
0x18: {  	[sflag:s23] =	ssyncadd.s32 s4;
	_ =	sdelay $0x1  }
0x19: {  	s24 =	simm.s32 $0x1B8B  }
0x1a: {  	_ =	swait.ge [sflag:s24], $0x1  }
0x1b: {  	[sflag:s24] =	ssyncset.done $0x0  }
0x1c: {  	s26 =	simm.s32 $0x1B8E;
	s25 =	sld [smem:$0x3FFE];
	[sflag:s24] =	ssyncadd.s32 $0xFFFFFFFF  }
0x1d: {  	s27 =	simm.s32 $execute0_lowered;
	[smem:$0x3FD2] =	sst s26  }
0x1e: {  	s5 =	sshll.u32 s27, $0x1;
	_ =	strace $0x80000049;
	[dreg:$0x1] =	wrdreg $0xFFFFFFFF  }
0x1f: {  	s28 =	simm.s32 $_size_execute0_lowered;
	s3 =	sadd.s32 s3, s5;
	[dreg:$0x0] =	wrdreg $0x0  }
0x20: {  	s5 =	sshll.u32 s28, $0x1;
	[dreg:$0x2] =	wrdreg s3  }
0x21: {  	[dreg:$0x3] =	wrdreg s5  }
0x22: {  	[dreg:$0x4] =	wrdreg $0xC0  }
0x23: {  	_ =	task [dreg:s7], $0x5FFFF  }
0x24: {  	[dreg:$0x1] =	wrdreg $0xFFFFFFFF  }
0x25: {  	[dreg:$0x0] =	wrdreg $0x60  }
0x26: {  	[dreg:$0x2] =	wrdreg s25  }
0x27: {  	[dreg:$0x3] =	wrdreg s2  }
0x28: {  	[dreg:$0x4] =	wrdreg $0x9  }
0x29: {  	_ =	task.clear_ibuf [dreg:s7], $0x5FFFF;
	_ =	strace $0x90000049  }
0x2a: {  	s29 =	simm.s32 $0x9;
	_ =	strace $0x8000004B  }
0x2b: {  	_ =	swait.ge [sflag:s29], $0x1  }
0x2c: {  	[sflag:s29] =	ssyncadd.s32 $0xFFFFFFFF  }
0x2d: {  	_ =	strace $0x9000004B  }
0x2e: {  	_ =	sfence  }
0x2f: {  	s30 =	sld [smem:$0x0];
	_ =	sdelay $0x2  }
0x30: {  	s31 =	sshll.u32 s1, $0xD;
	s1 =	sshrl.u32 s1, $0x2  }
0x31: {  	s3 =	sand.u32 $0x4000, s31;
	s1 =	sadd.s32 s1, s30  }
0x32: {  	s0 =	sor.u32 s3, s0;
	s1 =	sshll.u32 s1, $0x11  }
0x33: {  	s0 =	sor.u32 s1, s0  }
0x34: {  	s0 =	sadd.s32 $0x8F2B, s0  }
0x35: {  	[sflag:s0] =	ssyncadd.remote.s32 $0x1  }
0x36: {  	_ =	sfence.sel $0xFFFF  }
0x37: {  	[dreg:$0x0] =	wrdreg $0xFFFFFFFF;
	(pc) =	sbr.abs _section_cstart, $3  }
0x38: {  	[dreg:$0x1] =	wrdreg $0xFFFFFFFF  }
0x39: {  	_ =	task.clear_ibuf [dreg:s7], $0x2FFFF;
	_ =	strace $0x9FFFFFFF  }
0x3a: {  	(tm) =	ssettm $0x7FFFFFFF  }
0x3b: {  	_ =	shalt  }
tec
execute0_lowered:
.L_overlay_start_1:
0x0: {  	(tag) =	ssettag $0x1  }
0x1: {  	s0 =	srdreg.scid  }
0x2: {  	s1 =	sshll.u32 s0, $0x4  }
0x3: {  	s4 =	rddreg [dreg:$0x0];
	s0 =	stileid.u32;
	s1 =	sand.u32 $0x10, s1  }
0x4: {  	s2 =	rddreg [dreg:$0x1];
	s7 =	simm.s32 $0x1;
	s1 =	sor.u32 s0, s1  }
0x5: {  	s8 =	simm.s32 $0x2;
	s11 =	simm.s32 $0x0;
	s3 =	sshll.u32 s1, $0x7  }
0x6: {  	s10 =	simm.s32 $0x0;
	s4 =	sadd.s32 $0x800, s4;
	s6 =	ssub.s32 $0xC8000, s3  }
.Ltmp0:
0x7: {  	s1 =	rddreg [dreg:$0x2];
	s5 =	sand.u32 $0xF80, s6;
	(pc) =	sbr.rel .LBB1_1-.Ltmp0, $4  }
0x8: {  	_ =	strace $0x8000004A;
	s9 =	smov.u32 s3;
	p0 =	sne.s32 s5, $0x0  }
0x9: {  	s6 =	sshrl.u32 s6, $0xC;
	s5 =	simm.s32 $0x1;
	s7 =	simm.s32 @!p0 $0x0  }
0xa: {  	[sflag:s5] =	ssyncpa.u1 $0x0;
	p0 =	por $0x0, $0x0;
	s6 =	sadd.s32 s7, s6  }
0xb: {  	[sflag:s8] =	ssyncpa.u1 $0x0;
	s8 =	simm.s32 $0x640000;
	s7 =	sadd.s32 $0x1, s6  }
.LBB1_4:
0xc: {  	s14 =	sshll.u32 s11, $0x3  }
0xd: {  	s30 =	sand.u32 $0x7F, s11;
	s15 =	sand.u32 $0xFFFFFC00, s14  }
0xe: {  	s11 =	sor.u32 s30, s15  }
0xf: {  	s15 =	smulhi.u32 $0x51EB851F, s11  }
0x10: {  	s14 =	smulhi.u32 $0x51EB851F, s14  }
0x11: {  	s15 =	sshrl.u32 s15, $0x12  }
0x12: {  	s14 =	sshrl.u32 s14, $0x12;
	s15 =	smul.u32 $0xC8000, s15  }
0x13: {  	s14 =	sand.u32 $0x1F, s14  }
0x14: {  	s14 =	smul.u32 $0x19000, s14;
	s11 =	ssub.s32 s11, s15  }
0x15: {  	s15 =	sand.u32 $0x7, s11  }
0x16: {  	s14 =	sadd.s32 s2, s14;
	s11 =	sshrl.u32 s11, $0x3;
	s15 =	sshll.u32 s15, $0x12  }
0x17: {  	[tilespmem:s13+$0x0 ss:$0x81] =	vst.msk $0xffff, v0;
	s11 =	sadd.s32 s11, s14;
	s31 =	sor.u32 $0x400, s15  }
0x18: {  	[hbm4b:s11+s31] =	stream.strided.scatter [tilespmem:s12], [sflag:$0x2], $0x1000, s8, s31, $0x20;
	[tilespmem:$0x4040] =	vst v63  }
.LBB1_5:
0x19: {  	s13 =	sadd.s32 $0x1000, s9  }
0x1a: {  	p2 =	sgt.s32 s13, $0xC7FFF  }
0x1b: {  	s13 =	smov.u32 @p2 s3;
	p2 =	sne.s32 s10, s7  }
.Ltmp1:
0x1c: {  	p1 =	slt.u32 s10, $0x2;
	(pc) =	sbr.rel @!p2 .LBB1_6-.Ltmp1, $4  }
0x1d: {  	s12 =	simm.s32 @!p1 $0x2  }
0x1e: {  	s14 =	sadd.s32 $0x1, s10;
	_ =	swait.ge @!p1 [sflag:s12], $0x1000  }
0x1f: {  	s11 =	smov.u32 s9;
	p0 =	por !p0, !p0;
	[sflag:s12] =	ssyncset.done @!p1 $0x0  }
0x20: {  	s10 =	smov.u32 s14;
	s9 =	smov.u32 s13;
	[sflag:s12] =	ssyncadd.s32 @!p1 $0xFFFFF000  }
.LBB1_1:
0x21: {  	p1 =	sge.u32 s10, s6  }
0x22: {  	s12 =	sand.u32 @!p1 $0x1FFFFFF, s9  }
0x23: {  	s13 =	smulhi.u32 @!p1 $0x147AE15, s12;
	_ =	sdelay $0x1  }
0x24: {  	s13 =	sshrl.u32 @!p1 s13, $0xC  }
0x25: {  	s13 =	smul.u32 @!p1 $0xC8000, s13;
	_ =	sdelay $0x1  }
0x26: {  	s31 =	sadd.s32 $0xFFFFFFFF, s10;
	s14 =	sxor.u32 @!p1 $0xFFFFFFFF, s10;
	s12 =	ssub.s32 @!p1 s12, s13  }
0x27: {  	s15 =	simm.s32 @!p1 $0x80;
	s14 =	sshll.u32 @!p1 s14, $0xC;
	s12 =	sshll.u32 @!p1 s12, $0x4  }
0x28: {  	s13 =	sand.u32 @!p1 $0x1000, s14;
	s14 =	simm.s32 @!p1 $0x20;
	s12 =	sadd.s32 @!p1 s4, s12  }
0x29: {  	[tilespmem:s13], [sflag:$0x1] =	stream.strided.gather @!p1 [hbm4b:s12+s14], $0x1000, s15, s14, $0x38;
	[tilespmem:$0x4040] =	vst v63  }
0x2a: {  	p1 =	sge.u32 s31, s6  }
.Ltmp2:
0x2b: {  	_ = 	snop;
	(pc) =	sbr.rel @p1 .LBB1_5-.Ltmp2, $1  }
0x2c: {  	_ =	sdelay $0x3  }
0x2d: {  	s12 =	simm.s32 $0x1  }
0x2e: {  	_ =	swait.ge [sflag:s5], $0x1000;
	s12 =	simm.s32 @!p0 $0x0  }
0x2f: {  	[sflag:s5] =	ssyncset.done $0x0;
	s13 =	sshll.u32 s12, $0xC  }
0x30: {  	[sflag:s5] =	ssyncadd.s32 $0xFFFFF000;
	s16 =	sor.u32 $0x10, s13  }
0x31: {  	s12 =	smul.u32 $0x4080, s12;
	v1 =	vld [tilespmem:s16+$0x0]  }
0x32: {  	s30 =	sand.u32 $0x1, s10;
	v0 =	vld [tilespmem:s16+$0xFFFFFFF0]  }
0x33: {  	s13 =	smul.u32 $0x4080, s30;
	s12 =	sshrl.u32 s12, $0x2  }
0x34: {  	s14 =	sor.u32 $0x2000, s12  }
0x35: {  	s31 =	sshrl.u32 s13, $0x2;
	s13 =	sadd.s32 $0x0, s14  }
0x36: {  	s15 =	simm.s32 $0x4;
	s16 =	sadd.s32 $0x20, s16;
	s12 =	sor.u32 $0x2000, s31;
	[tilespmem:s13+$0x810 ss:$0x81] =	vst.msk $0xffff, v1  }
.LBB1_3:
0x37: {  	v1 =	vld [tilespmem:s16+$0x0];
	p1 =	sne.s32 s15, $0x1FC;
	[tilespmem:s13+$0x0 ss:$0x81] =	vst.msk $0xffff, v0;
	s13 =	smov.u32 s15;
	s15 =	sadd.s32 $0x4, s15  }
.Ltmp3:
0x38: {  	v0 =	vld [tilespmem:s16+$0xFFFFFFF0];
	(pc) =	sbr.rel @p1 .LBB1_3-.Ltmp3, $4  }
0x39: {  	_ = 	snop  }
0x3a: {  	s13 =	sshra.s32 s13, $0x2  }
0x3b: {  	s13 =	sadd.s32 s13, s14  }
0x3c: {  	s16 =	sadd.s32 $0x20, s16;
	[tilespmem:s13+$0x810 ss:$0x81] =	vst.msk $0xffff, v1  }
.Ltmp4:
0x3d: {  	_ = 	snop;
	(pc) =	sbr.rel .LBB1_4-.Ltmp4, $1  }
0x3e: {  	_ =	sdelay $0x3  }
.LBB1_6:
0x3f: {  	_ =	sfence.sel $0x180000  }
0x40: {  	s2 =	simm.s32 $0x1;
	[bflag:$0x0] =	sbarrier.arrive $0xFFFF  }
0x41: {  	s31 =	simm.s32 $0x2;
	[sflag:s2] =	ssyncpa.u1 $0x1  }
0x42: {  	[sflag:s31] =	ssyncpa.u1 $0x1  }
0x43: {  	p0 =	sne.s32 s0, $0x0;
	_ =	strace $0x9000004A  }
0x44: {  	s0 =	sadd.s32 @!p0 $0x100000, s1;
	[bflag:$0x2] =	sbarrier.arrive $0xFFFF  }
0x45: {  	[sflag:s0] =	ssyncadd.tile.s32 @!p0 $0x1;
	_ =	shalt  }
.Lfunc_end1:
_tile_overlayer_lowered:
.L_overlay_start_2:
0x46: {  	(tag) =	ssettag $0x2  }
0x47: {  	s0 =	rddreg [dreg:$0x0];
	s2 =	stileid.u32  }
0x48: {  	s1 =	rddreg [dreg:$0x1];
	p0 =	sne.s32 s2, $0x0  }
0x49: {  	s3 =	rddreg [dreg:$0x2];
	[bflag:$0x3] =	sbarrier.arrive $0xFFFF;
	s2 =	simm.s32 @!p0 $0x1C01  }
0x4a: {  	[timem:s3], [sflag:s2] =	dma.local @!p0 [hbm:s0], s1  }
0x4b: {  	s0 =	simm.s32 @!p0 $0x1  }
0x4c: {  	_ =	swait.ge @!p0 [sflag:s0], s1  }
0x4d: {  	s1 =	ssub.s32 @!p0 $0x0, s1;
	[sflag:s0] =	ssyncset.done @!p0 $0x0  }
0x4e: {  	[sflag:s0] =	ssyncadd.s32 @!p0 s1  }
0x4f: {  	[bflag:$0x3] =	sbarrier.arrive $0xFFFF  }
0x50: {  	_ =	shalt  }

</sc_bundles>
